<compile_context>
chip_gen: v7x
topology: tpu7x:2x2x1
jax: 0.10.2.dev20260603
libtpu: 0.0.44.dev20260713+nightly
codegen_flags: <defaults>
</compile_context>

<pallas_src>
import functools

import jax
import jax.numpy as jnp
from jax import lax
from jax.experimental import pallas as pl
from jax.experimental.pallas import tpu as pltpu
from jax.experimental.pallas import tpu_sc as plsc

_B, _L, _E = 1024, 200, 64
_BPC = 2
_CR = _BPC * _L


@functools.cache
def _make_sc_gather():
    info = plsc.get_sparse_core_info()
    nc, ns = info.num_cores, info.num_subcores
    nw = nc * ns
    bpw = _B // nw
    rpw = bpw * _L
    nch = bpw // _BPC
    nbuf = 3
    mesh = plsc.VectorSubcoreMesh(core_axis_name="c", subcore_axis_name="s",
                                  num_cores=nc)

    @functools.partial(
        pl.kernel,
        mesh=mesh,
        compiler_params=pltpu.CompilerParams(needs_layout_passes=False,
                                             use_tc_tiling_on_sc=False),
        out_type=jax.ShapeDtypeStruct((_B, _L, _E), jnp.float32),
        scratch_types=[
            pltpu.VMEM((rpw,), jnp.int32),
            pltpu.VMEM((_CR, _E), jnp.float32),
            pltpu.VMEM((_CR, _E), jnp.float32),
            pltpu.VMEM((_CR, _E), jnp.float32),
            pltpu.SemaphoreType.DMA,
            pltpu.SemaphoreType.DMA,
            pltpu.SemaphoreType.DMA,
            pltpu.SemaphoreType.DMA,
            pltpu.SemaphoreType.DMA,
            pltpu.SemaphoreType.DMA,
            pltpu.SemaphoreType.DMA,
        ],
    )
    def sc_gather(ids_hbm, tok_hbm, out_hbm,
                  ids_all, rows0, rows1, rows2,
                  sem_i, sg0, sg1, sg2, so0, so1, so2):
        rows_b = (rows0, rows1, rows2)
        sem_g = (sg0, sg1, sg2)
        sem_o = (so0, so1, so2)

        wid = lax.axis_index("s") * nc + lax.axis_index("c")
        bbase = wid * bpw

        for b in range(bpw):
            pltpu.async_copy(ids_hbm.at[bbase + b],
                             ids_all.at[pl.ds(b * _L, _L)], sem_i)
        for b in range(bpw):
            pltpu.make_async_copy(ids_hbm.at[0],
                                  ids_all.at[pl.ds(b * _L, _L)], sem_i).wait()

        def enq_gather(k, p):
            pltpu.async_copy(tok_hbm.at[ids_all.at[pl.ds(k * _CR, _CR)]],
                             rows_b[p], sem_g[p])

        def wait_gather(p):
            pltpu.make_async_copy(tok_hbm.at[ids_all.at[pl.ds(0, _CR)]],
                                  rows_b[p], sem_g[p]).wait()

        def enq_out(k, p):
            b = bbase + _BPC * k
            for i in range(_BPC):
                pltpu.async_copy(rows_b[p].at[pl.ds(i * _L, _L)],
                                 out_hbm.at[b + i], sem_o[p])

        def wait_out(p):
            for i in range(_BPC):
                pltpu.make_async_copy(rows_b[p].at[pl.ds(i * _L, _L)],
                                      out_hbm.at[0], sem_o[p]).wait()

        enq_gather(0, 0)
        enq_gather(1, 1)

        def chunk_body(k, p, prefetch):
            wait_gather(p)
            if prefetch:
                @pl.when((k >= 1) & (k + 2 < nch))
                def _():
                    wait_out((p + 2) % nbuf)
                    enq_gather(k + 2, (p + 2) % nbuf)

                @pl.when((k < 1) & (k + 2 < nch))
                def _():
                    enq_gather(k + 2, (p + 2) % nbuf)
            enq_out(k, p)

        def triple(i, carry):
            for c in range(3):
                chunk_body(3 * i + c, c, True)
            return carry

        lax.fori_loop(0, nch // nbuf, triple, 0, unroll=False)
        chunk_body(nch - 1, (nch - 1) % nbuf, False)
        wait_out((nch - 3) % nbuf)
        wait_out((nch - 2) % nbuf)
        wait_out((nch - 1) % nbuf)

    return sc_gather


def kernel(input_ids, segment_ids, token_table, pos_table, seg_table):
    tok = _make_sc_gather()(input_ids, token_table)
    seg = jnp.where(segment_ids[:, :, None] == 0, seg_table[0], seg_table[1])
    return tok + pos_table[None, :_L, :] + seg

# --- scband reference (transcript-rebuilt; emitter-appended) ---
"""Pipeline reference for scband-bertinput-encoder-84739704750701 (READ-ONLY COPY).

The authoritative reference and input builder live on the scoring server;
editing this copy changes nothing except your own understanding.
"""

import jax, jax.numpy as jnp
import numpy as np

VOCAB = 1000000
EMBED = 64
MAX_LEN = 512
B, L = 1024, 200

def setup_inputs(seed: int = 0) -> dict:
    key = jax.random.key(seed)
    k1, k2, k3, k4, k5 = jax.random.split(key, 5)
    input_ids = jax.random.randint(k1, (B, L), 0, VOCAB, dtype=jnp.int32)
    segment_ids = jax.random.randint(k2, (B, L), 0, 2, dtype=jnp.int32)
    token_table = jax.random.normal(k3, (VOCAB, EMBED), dtype=jnp.float32) * 0.02
    pos_table = jax.random.normal(k4, (MAX_LEN, EMBED), dtype=jnp.float32) * 0.02
    seg_table = jax.random.normal(k5, (2, EMBED), dtype=jnp.float32) * 0.02
    return {"input_ids": input_ids, "segment_ids": segment_ids,
            "token_table": token_table, "pos_table": pos_table, "seg_table": seg_table}

def reference(input_ids, segment_ids, token_table, pos_table, seg_table):
    token_embeds = jnp.take(token_table, input_ids, axis=0)  # [B, L, E]
    position_ids = jnp.arange(input_ids.shape[1])
    position_embeds = jnp.take(pos_table, position_ids, axis=0)  # [L, E]
    segment_embeds = jnp.take(seg_table, segment_ids, axis=0)  # [B, L, E]
    embeddings = token_embeds + position_embeds[None, :, :] + segment_embeds
    return embeddings

if __name__ == "__main__":
    import jax
    _d = setup_inputs()
    print(jax.jit(kernel)(*tuple(_d.values())))

</pallas_src>

<mosaic_0001>
#map = affine_map<(d0, d1) -> (0, 0)>
#map1 = affine_map<(d0, d1) -> (0, 0, 0)>
module attributes {stable_mosaic.version = 14 : i64} {
  func.func @sc_gather(%arg0: i32, %arg1: i32, %arg2: memref<1024x200xi32, #tpu.memory_space<hbm>>, %arg3: memref<1000000x64xf32, #tpu.memory_space<hbm>>, %arg4: memref<1024x200x64xf32, #tpu.memory_space<hbm>>, %arg5: memref<6400xi32, #tpu.memory_space<vmem>>, %arg6: memref<400x64xf32, #tpu.memory_space<vmem>>, %arg7: memref<400x64xf32, #tpu.memory_space<vmem>>, %arg8: memref<400x64xf32, #tpu.memory_space<vmem>>, %arg9: memref<!tpu.dma_semaphore, #tpu.memory_space<semaphore_mem>>, %arg10: memref<!tpu.dma_semaphore, #tpu.memory_space<semaphore_mem>>, %arg11: memref<!tpu.dma_semaphore, #tpu.memory_space<semaphore_mem>>, %arg12: memref<!tpu.dma_semaphore, #tpu.memory_space<semaphore_mem>>, %arg13: memref<!tpu.dma_semaphore, #tpu.memory_space<semaphore_mem>>, %arg14: memref<!tpu.dma_semaphore, #tpu.memory_space<semaphore_mem>>, %arg15: memref<!tpu.dma_semaphore, #tpu.memory_space<semaphore_mem>>) attributes {dimension_semantics = [#tpu.dimension_semantics<core_parallel>, #tpu.dimension_semantics<subcore_parallel>], iteration_bounds = array<i64: 2, 16>, scalar_prefetch = 0 : i64, scratch_operands = 11 : i64, tpu.core_type = #tpu.core_type<sc_vector_subcore>, window_params = [{transform_indices = #map}, {transform_indices = #map}, {transform_indices = #map1}]} {
    %mul3A = arith.constant 2 : i32
    %mul3A_0 = arith.muli %arg1, %mul3A : i32
    %add3A = arith.addi %mul3A_0, %arg0 : i32
    %mul3A_1 = arith.constant 32 : i32
    %mul3A_2 = arith.muli %add3A, %mul3A_1 : i32
    %add3A_3 = arith.constant 0 : i32
    %add3A_4 = arith.addi %mul3A_2, %add3A_3 : i32
    %dma_start3A = arith.constant 0 : i32
    %dma_start3A_5 = tpu.memref_slice %arg5[%dma_start3A] : memref<6400xi32, #tpu.memory_space<vmem>> -> memref<200xi32, #tpu.memory_space<vmem>>
    %dma_start3A_6 = arith.constant 0 : i32
    %dma_start3A_7 = tpu.memref_slice %arg2[%add3A_4, %dma_start3A_6] : memref<1024x200xi32, #tpu.memory_space<hbm>> -> memref<1x200xi32, #tpu.memory_space<hbm>>
    %dma_start3A_8 = tpu.memref_squeeze %dma_start3A_7 : memref<1x200xi32, #tpu.memory_space<hbm>> -> memref<200xi32, #tpu.memory_space<hbm>>
    %dma_start3A_9 = arith.constant 0 : i32
    %dma_start3A_10 = tpu.memref_slice %arg5[%dma_start3A_9] : memref<6400xi32, #tpu.memory_space<vmem>> -> memref<200xi32, #tpu.memory_space<vmem>>
    %dma_start3A_11 = arith.constant 0 : i32
    %dma_start3A_12 = tpu.memref_slice %arg2[%add3A_4, %dma_start3A_11] : memref<1024x200xi32, #tpu.memory_space<hbm>> -> memref<1x200xi32, #tpu.memory_space<hbm>>
    %dma_start3A_13 = tpu.memref_squeeze %dma_start3A_12 : memref<1x200xi32, #tpu.memory_space<hbm>> -> memref<200xi32, #tpu.memory_space<hbm>>
    tpu.enqueue_dma source(%dma_start3A_13 : memref<200xi32, #tpu.memory_space<hbm>>) target(%dma_start3A_10 : memref<200xi32, #tpu.memory_space<vmem>>) target_semaphore(%arg9 : memref<!tpu.dma_semaphore, #tpu.memory_space<semaphore_mem>>)
    %add3A_14 = arith.constant 1 : i32
    %add3A_15 = arith.addi %mul3A_2, %add3A_14 : i32
    %dma_start3A_16 = arith.constant 200 : i32
    %dma_start3A_17 = tpu.memref_slice %arg5[%dma_start3A_16] : memref<6400xi32, #tpu.memory_space<vmem>> -> memref<200xi32, #tpu.memory_space<vmem>>
    %dma_start3A_18 = arith.constant 0 : i32
    %dma_start3A_19 = tpu.memref_slice %arg2[%add3A_15, %dma_start3A_18] : memref<1024x200xi32, #tpu.memory_space<hbm>> -> memref<1x200xi32, #tpu.memory_space<hbm>>
    %dma_start3A_20 = tpu.memref_squeeze %dma_start3A_19 : memref<1x200xi32, #tpu.memory_space<hbm>> -> memref<200xi32, #tpu.memory_space<hbm>>
    %dma_start3A_21 = arith.constant 200 : i32
    %dma_start3A_22 = tpu.memref_slice %arg5[%dma_start3A_21] : memref<6400xi32, #tpu.memory_space<vmem>> -> memref<200xi32, #tpu.memory_space<vmem>>
    %dma_start3A_23 = arith.constant 0 : i32
    %dma_start3A_24 = tpu.memref_slice %arg2[%add3A_15, %dma_start3A_23] : memref<1024x200xi32, #tpu.memory_space<hbm>> -> memref<1x200xi32, #tpu.memory_space<hbm>>
    %dma_start3A_25 = tpu.memref_squeeze %dma_start3A_24 : memref<1x200xi32, #tpu.memory_space<hbm>> -> memref<200xi32, #tpu.memory_space<hbm>>
    tpu.enqueue_dma source(%dma_start3A_25 : memref<200xi32, #tpu.memory_space<hbm>>) target(%dma_start3A_22 : memref<200xi32, #tpu.memory_space<vmem>>) target_semaphore(%arg9 : memref<!tpu.dma_semaphore, #tpu.memory_space<semaphore_mem>>)
    %add3A_26 = arith.constant 2 : i32
    %add3A_27 = arith.addi %mul3A_2, %add3A_26 : i32
    %dma_start3A_28 = arith.constant 400 : i32
    %dma_start3A_29 = tpu.memref_slice %arg5[%dma_start3A_28] : memref<6400xi32, #tpu.memory_space<vmem>> -> memref<200xi32, #tpu.memory_space<vmem>>
    %dma_start3A_30 = arith.constant 0 : i32
    %dma_start3A_31 = tpu.memref_slice %arg2[%add3A_27, %dma_start3A_30] : memref<1024x200xi32, #tpu.memory_space<hbm>> -> memref<1x200xi32, #tpu.memory_space<hbm>>
    %dma_start3A_32 = tpu.memref_squeeze %dma_start3A_31 : memref<1x200xi32, #tpu.memory_space<hbm>> -> memref<200xi32, #tpu.memory_space<hbm>>
    %dma_start3A_33 = arith.constant 400 : i32
    %dma_start3A_34 = tpu.memref_slice %arg5[%dma_start3A_33] : memref<6400xi32, #tpu.memory_space<vmem>> -> memref<200xi32, #tpu.memory_space<vmem>>
    %dma_start3A_35 = arith.constant 0 : i32
    %dma_start3A_36 = tpu.memref_slice %arg2[%add3A_27, %dma_start3A_35] : memref<1024x200xi32, #tpu.memory_space<hbm>> -> memref<1x200xi32, #tpu.memory_space<hbm>>
    %dma_start3A_37 = tpu.memref_squeeze %dma_start3A_36 : memref<1x200xi32, #tpu.memory_space<hbm>> -> memref<200xi32, #tpu.memory_space<hbm>>
    tpu.enqueue_dma source(%dma_start3A_37 : memref<200xi32, #tpu.memory_space<hbm>>) target(%dma_start3A_34 : memref<200xi32, #tpu.memory_space<vmem>>) target_semaphore(%arg9 : memref<!tpu.dma_semaphore, #tpu.memory_space<semaphore_mem>>)
    %add3A_38 = arith.constant 3 : i32
    %add3A_39 = arith.addi %mul3A_2, %add3A_38 : i32
    %dma_start3A_40 = arith.constant 600 : i32
    %dma_start3A_41 = tpu.memref_slice %arg5[%dma_start3A_40] : memref<6400xi32, #tpu.memory_space<vmem>> -> memref<200xi32, #tpu.memory_space<vmem>>
    %dma_start3A_42 = arith.constant 0 : i32
    %dma_start3A_43 = tpu.memref_slice %arg2[%add3A_39, %dma_start3A_42] : memref<1024x200xi32, #tpu.memory_space<hbm>> -> memref<1x200xi32, #tpu.memory_space<hbm>>
    %dma_start3A_44 = tpu.memref_squeeze %dma_start3A_43 : memref<1x200xi32, #tpu.memory_space<hbm>> -> memref<200xi32, #tpu.memory_space<hbm>>
    %dma_start3A_45 = arith.constant 600 : i32
    %dma_start3A_46 = tpu.memref_slice %arg5[%dma_start3A_45] : memref<6400xi32, #tpu.memory_space<vmem>> -> memref<200xi32, #tpu.memory_space<vmem>>
    %dma_start3A_47 = arith.constant 0 : i32
    %dma_start3A_48 = tpu.memref_slice %arg2[%add3A_39, %dma_start3A_47] : memref<1024x200xi32, #tpu.memory_space<hbm>> -> memref<1x200xi32, #tpu.memory_space<hbm>>
    %dma_start3A_49 = tpu.memref_squeeze %dma_start3A_48 : memref<1x200xi32, #tpu.memory_space<hbm>> -> memref<200xi32, #tpu.memory_space<hbm>>
    tpu.enqueue_dma source(%dma_start3A_49 : memref<200xi32, #tpu.memory_space<hbm>>) target(%dma_start3A_46 : memref<200xi32, #tpu.memory_space<vmem>>) target_semaphore(%arg9 : memref<!tpu.dma_semaphore, #tpu.memory_space<semaphore_mem>>)
    %add3A_50 = arith.constant 4 : i32
    %add3A_51 = arith.addi %mul3A_2, %add3A_50 : i32
    %dma_start3A_52 = arith.constant 800 : i32
    %dma_start3A_53 = tpu.memref_slice %arg5[%dma_start3A_52] : memref<6400xi32, #tpu.memory_space<vmem>> -> memref<200xi32, #tpu.memory_space<vmem>>
    %dma_start3A_54 = arith.constant 0 : i32
    %dma_start3A_55 = tpu.memref_slice %arg2[%add3A_51, %dma_start3A_54] : memref<1024x200xi32, #tpu.memory_space<hbm>> -> memref<1x200xi32, #tpu.memory_space<hbm>>
    %dma_start3A_56 = tpu.memref_squeeze %dma_start3A_55 : memref<1x200xi32, #tpu.memory_space<hbm>> -> memref<200xi32, #tpu.memory_space<hbm>>
    %dma_start3A_57 = arith.constant 800 : i32
    %dma_start3A_58 = tpu.memref_slice %arg5[%dma_start3A_57] : memref<6400xi32, #tpu.memory_space<vmem>> -> memref<200xi32, #tpu.memory_space<vmem>>
    %dma_start3A_59 = arith.constant 0 : i32
    %dma_start3A_60 = tpu.memref_slice %arg2[%add3A_51, %dma_start3A_59] : memref<1024x200xi32, #tpu.memory_space<hbm>> -> memref<1x200xi32, #tpu.memory_space<hbm>>
    %dma_start3A_61 = tpu.memref_squeeze %dma_start3A_60 : memref<1x200xi32, #tpu.memory_space<hbm>> -> memref<200xi32, #tpu.memory_space<hbm>>
    tpu.enqueue_dma source(%dma_start3A_61 : memref<200xi32, #tpu.memory_space<hbm>>) target(%dma_start3A_58 : memref<200xi32, #tpu.memory_space<vmem>>) target_semaphore(%arg9 : memref<!tpu.dma_semaphore, #tpu.memory_space<semaphore_mem>>)
    %add3A_62 = arith.constant 5 : i32
    %add3A_63 = arith.addi %mul3A_2, %add3A_62 : i32
    %dma_start3A_64 = arith.constant 1000 : i32
    %dma_start3A_65 = tpu.memref_slice %arg5[%dma_start3A_64] : memref<6400xi32, #tpu.memory_space<vmem>> -> memref<200xi32, #tpu.memory_space<vmem>>
    %dma_start3A_66 = arith.constant 0 : i32
    %dma_start3A_67 = tpu.memref_slice %arg2[%add3A_63, %dma_start3A_66] : memref<1024x200xi32, #tpu.memory_space<hbm>> -> memref<1x200xi32, #tpu.memory_space<hbm>>
    %dma_start3A_68 = tpu.memref_squeeze %dma_start3A_67 : memref<1x200xi32, #tpu.memory_space<hbm>> -> memref<200xi32, #tpu.memory_space<hbm>>
    %dma_start3A_69 = arith.constant 1000 : i32
    %dma_start3A_70 = tpu.memref_slice %arg5[%dma_start3A_69] : memref<6400xi32, #tpu.memory_space<vmem>> -> memref<200xi32, #tpu.memory_space<vmem>>
    %dma_start3A_71 = arith.constant 0 : i32
    %dma_start3A_72 = tpu.memref_slice %arg2[%add3A_63, %dma_start3A_71] : memref<1024x200xi32, #tpu.memory_space<hbm>> -> memref<1x200xi32, #tpu.memory_space<hbm>>
    %dma_start3A_73 = tpu.memref_squeeze %dma_start3A_72 : memref<1x200xi32, #tpu.memory_space<hbm>> -> memref<200xi32, #tpu.memory_space<hbm>>
    tpu.enqueue_dma source(%dma_start3A_73 : memref<200xi32, #tpu.memory_space<hbm>>) target(%dma_start3A_70 : memref<200xi32, #tpu.memory_space<vmem>>) target_semaphore(%arg9 : memref<!tpu.dma_semaphore, #tpu.memory_space<semaphore_mem>>)
    %add3A_74 = arith.constant 6 : i32
    %add3A_75 = arith.addi %mul3A_2, %add3A_74 : i32
    %dma_start3A_76 = arith.constant 1200 : i32
    %dma_start3A_77 = tpu.memref_slice %arg5[%dma_start3A_76] : memref<6400xi32, #tpu.memory_space<vmem>> -> memref<200xi32, #tpu.memory_space<vmem>>
    %dma_start3A_78 = arith.constant 0 : i32
    %dma_start3A_79 = tpu.memref_slice %arg2[%add3A_75, %dma_start3A_78] : memref<1024x200xi32, #tpu.memory_space<hbm>> -> memref<1x200xi32, #tpu.memory_space<hbm>>
    %dma_start3A_80 = tpu.memref_squeeze %dma_start3A_79 : memref<1x200xi32, #tpu.memory_space<hbm>> -> memref<200xi32, #tpu.memory_space<hbm>>
    %dma_start3A_81 = arith.constant 1200 : i32
    %dma_start3A_82 = tpu.memref_slice %arg5[%dma_start3A_81] : memref<6400xi32, #tpu.memory_space<vmem>> -> memref<200xi32, #tpu.memory_space<vmem>>
    %dma_start3A_83 = arith.constant 0 : i32
    %dma_start3A_84 = tpu.memref_slice %arg2[%add3A_75, %dma_start3A_83] : memref<1024x200xi32, #tpu.memory_space<hbm>> -> memref<1x200xi32, #tpu.memory_space<hbm>>
    %dma_start3A_85 = tpu.memref_squeeze %dma_start3A_84 : memref<1x200xi32, #tpu.memory_space<hbm>> -> memref<200xi32, #tpu.memory_space<hbm>>
    tpu.enqueue_dma source(%dma_start3A_85 : memref<200xi32, #tpu.memory_space<hbm>>) target(%dma_start3A_82 : memref<200xi32, #tpu.memory_space<vmem>>) target_semaphore(%arg9 : memref<!tpu.dma_semaphore, #tpu.memory_space<semaphore_mem>>)
    %add3A_86 = arith.constant 7 : i32
    %add3A_87 = arith.addi %mul3A_2, %add3A_86 : i32
    %dma_start3A_88 = arith.constant 1400 : i32
    %dma_start3A_89 = tpu.memref_slice %arg5[%dma_start3A_88] : memref<6400xi32, #tpu.memory_space<vmem>> -> memref<200xi32, #tpu.memory_space<vmem>>
    %dma_start3A_90 = arith.constant 0 : i32
    %dma_start3A_91 = tpu.memref_slice %arg2[%add3A_87, %dma_start3A_90] : memref<1024x200xi32, #tpu.memory_space<hbm>> -> memref<1x200xi32, #tpu.memory_space<hbm>>
    %dma_start3A_92 = tpu.memref_squeeze %dma_start3A_91 : memref<1x200xi32, #tpu.memory_space<hbm>> -> memref<200xi32, #tpu.memory_space<hbm>>
    %dma_start3A_93 = arith.constant 1400 : i32
    %dma_start3A_94 = tpu.memref_slice %arg5[%dma_start3A_93] : memref<6400xi32, #tpu.memory_space<vmem>> -> memref<200xi32, #tpu.memory_space<vmem>>
    %dma_start3A_95 = arith.constant 0 : i32
    %dma_start3A_96 = tpu.memref_slice %arg2[%add3A_87, %dma_start3A_95] : memref<1024x200xi32, #tpu.memory_space<hbm>> -> memref<1x200xi32, #tpu.memory_space<hbm>>
    %dma_start3A_97 = tpu.memref_squeeze %dma_start3A_96 : memref<1x200xi32, #tpu.memory_space<hbm>> -> memref<200xi32, #tpu.memory_space<hbm>>
    tpu.enqueue_dma source(%dma_start3A_97 : memref<200xi32, #tpu.memory_space<hbm>>) target(%dma_start3A_94 : memref<200xi32, #tpu.memory_space<vmem>>) target_semaphore(%arg9 : memref<!tpu.dma_semaphore, #tpu.memory_space<semaphore_mem>>)
    %add3A_98 = arith.constant 8 : i32
    %add3A_99 = arith.addi %mul3A_2, %add3A_98 : i32
    %dma_start3A_100 = arith.constant 1600 : i32
    %dma_start3A_101 = tpu.memref_slice %arg5[%dma_start3A_100] : memref<6400xi32, #tpu.memory_space<vmem>> -> memref<200xi32, #tpu.memory_space<vmem>>
    %dma_start3A_102 = arith.constant 0 : i32
    %dma_start3A_103 = tpu.memref_slice %arg2[%add3A_99, %dma_start3A_102] : memref<1024x200xi32, #tpu.memory_space<hbm>> -> memref<1x200xi32, #tpu.memory_space<hbm>>
    %dma_start3A_104 = tpu.memref_squeeze %dma_start3A_103 : memref<1x200xi32, #tpu.memory_space<hbm>> -> memref<200xi32, #tpu.memory_space<hbm>>
    %dma_start3A_105 = arith.constant 1600 : i32
    %dma_start3A_106 = tpu.memref_slice %arg5[%dma_start3A_105] : memref<6400xi32, #tpu.memory_space<vmem>> -> memref<200xi32, #tpu.memory_space<vmem>>
    %dma_start3A_107 = arith.constant 0 : i32
    %dma_start3A_108 = tpu.memref_slice %arg2[%add3A_99, %dma_start3A_107] : memref<1024x200xi32, #tpu.memory_space<hbm>> -> memref<1x200xi32, #tpu.memory_space<hbm>>
    %dma_start3A_109 = tpu.memref_squeeze %dma_start3A_108 : memref<1x200xi32, #tpu.memory_space<hbm>> -> memref<200xi32, #tpu.memory_space<hbm>>
    tpu.enqueue_dma source(%dma_start3A_109 : memref<200xi32, #tpu.memory_space<hbm>>) target(%dma_start3A_106 : memref<200xi32, #tpu.memory_space<vmem>>) target_semaphore(%arg9 : memref<!tpu.dma_semaphore, #tpu.memory_space<semaphore_mem>>)
    %add3A_110 = arith.constant 9 : i32
    %add3A_111 = arith.addi %mul3A_2, %add3A_110 : i32
    %dma_start3A_112 = arith.constant 1800 : i32
    %dma_start3A_113 = tpu.memref_slice %arg5[%dma_start3A_112] : memref<6400xi32, #tpu.memory_space<vmem>> -> memref<200xi32, #tpu.memory_space<vmem>>
    %dma_start3A_114 = arith.constant 0 : i32
    %dma_start3A_115 = tpu.memref_slice %arg2[%add3A_111, %dma_start3A_114] : memref<1024x200xi32, #tpu.memory_space<hbm>> -> memref<1x200xi32, #tpu.memory_space<hbm>>
    %dma_start3A_116 = tpu.memref_squeeze %dma_start3A_115 : memref<1x200xi32, #tpu.memory_space<hbm>> -> memref<200xi32, #tpu.memory_space<hbm>>
    %dma_start3A_117 = arith.constant 1800 : i32
    %dma_start3A_118 = tpu.memref_slice %arg5[%dma_start3A_117] : memref<6400xi32, #tpu.memory_space<vmem>> -> memref<200xi32, #tpu.memory_space<vmem>>
    %dma_start3A_119 = arith.constant 0 : i32
    %dma_start3A_120 = tpu.memref_slice %arg2[%add3A_111, %dma_start3A_119] : memref<1024x200xi32, #tpu.memory_space<hbm>> -> memref<1x200xi32, #tpu.memory_space<hbm>>
    %dma_start3A_121 = tpu.memref_squeeze %dma_start3A_120 : memref<1x200xi32, #tpu.memory_space<hbm>> -> memref<200xi32, #tpu.memory_space<hbm>>
    tpu.enqueue_dma source(%dma_start3A_121 : memref<200xi32, #tpu.memory_space<hbm>>) target(%dma_start3A_118 : memref<200xi32, #tpu.memory_space<vmem>>) target_semaphore(%arg9 : memref<!tpu.dma_semaphore, #tpu.memory_space<semaphore_mem>>)
    %add3A_122 = arith.constant 10 : i32
    %add3A_123 = arith.addi %mul3A_2, %add3A_122 : i32
    %dma_start3A_124 = arith.constant 2000 : i32
    %dma_start3A_125 = tpu.memref_slice %arg5[%dma_start3A_124] : memref<6400xi32, #tpu.memory_space<vmem>> -> memref<200xi32, #tpu.memory_space<vmem>>
    %dma_start3A_126 = arith.constant 0 : i32
    %dma_start3A_127 = tpu.memref_slice %arg2[%add3A_123, %dma_start3A_126] : memref<1024x200xi32, #tpu.memory_space<hbm>> -> memref<1x200xi32, #tpu.memory_space<hbm>>
    %dma_start3A_128 = tpu.memref_squeeze %dma_start3A_127 : memref<1x200xi32, #tpu.memory_space<hbm>> -> memref<200xi32, #tpu.memory_space<hbm>>
    %dma_start3A_129 = arith.constant 2000 : i32
    %dma_start3A_130 = tpu.memref_slice %arg5[%dma_start3A_129] : memref<6400xi32, #tpu.memory_space<vmem>> -> memref<200xi32, #tpu.memory_space<vmem>>
    %dma_start3A_131 = arith.constant 0 : i32
    %dma_start3A_132 = tpu.memref_slice %arg2[%add3A_123, %dma_start3A_131] : memref<1024x200xi32, #tpu.memory_space<hbm>> -> memref<1x200xi32, #tpu.memory_space<hbm>>
    %dma_start3A_133 = tpu.memref_squeeze %dma_start3A_132 : memref<1x200xi32, #tpu.memory_space<hbm>> -> memref<200xi32, #tpu.memory_space<hbm>>
    tpu.enqueue_dma source(%dma_start3A_133 : memref<200xi32, #tpu.memory_space<hbm>>) target(%dma_start3A_130 : memref<200xi32, #tpu.memory_space<vmem>>) target_semaphore(%arg9 : memref<!tpu.dma_semaphore, #tpu.memory_space<semaphore_mem>>)
    %add3A_134 = arith.constant 11 : i32
    %add3A_135 = arith.addi %mul3A_2, %add3A_134 : i32
    %dma_start3A_136 = arith.constant 2200 : i32
    %dma_start3A_137 = tpu.memref_slice %arg5[%dma_start3A_136] : memref<6400xi32, #tpu.memory_space<vmem>> -> memref<200xi32, #tpu.memory_space<vmem>>
    %dma_start3A_138 = arith.constant 0 : i32
    %dma_start3A_139 = tpu.memref_slice %arg2[%add3A_135, %dma_start3A_138] : memref<1024x200xi32, #tpu.memory_space<hbm>> -> memref<1x200xi32, #tpu.memory_space<hbm>>
    %dma_start3A_140 = tpu.memref_squeeze %dma_start3A_139 : memref<1x200xi32, #tpu.memory_space<hbm>> -> memref<200xi32, #tpu.memory_space<hbm>>
    %dma_start3A_141 = arith.constant 2200 : i32
    %dma_start3A_142 = tpu.memref_slice %arg5[%dma_start3A_141] : memref<6400xi32, #tpu.memory_space<vmem>> -> memref<200xi32, #tpu.memory_space<vmem>>
    %dma_start3A_143 = arith.constant 0 : i32
    %dma_start3A_144 = tpu.memref_slice %arg2[%add3A_135, %dma_start3A_143] : memref<1024x200xi32, #tpu.memory_space<hbm>> -> memref<1x200xi32, #tpu.memory_space<hbm>>
    %dma_start3A_145 = tpu.memref_squeeze %dma_start3A_144 : memref<1x200xi32, #tpu.memory_space<hbm>> -> memref<200xi32, #tpu.memory_space<hbm>>
    tpu.enqueue_dma source(%dma_start3A_145 : memref<200xi32, #tpu.memory_space<hbm>>) target(%dma_start3A_142 : memref<200xi32, #tpu.memory_space<vmem>>) target_semaphore(%arg9 : memref<!tpu.dma_semaphore, #tpu.memory_space<semaphore_mem>>)
    %add3A_146 = arith.constant 12 : i32
    %add3A_147 = arith.addi %mul3A_2, %add3A_146 : i32
    %dma_start3A_148 = arith.constant 2400 : i32
    %dma_start3A_149 = tpu.memref_slice %arg5[%dma_start3A_148] : memref<6400xi32, #tpu.memory_space<vmem>> -> memref<200xi32, #tpu.memory_space<vmem>>
    %dma_start3A_150 = arith.constant 0 : i32
    %dma_start3A_151 = tpu.memref_slice %arg2[%add3A_147, %dma_start3A_150] : memref<1024x200xi32, #tpu.memory_space<hbm>> -> memref<1x200xi32, #tpu.memory_space<hbm>>
    %dma_start3A_152 = tpu.memref_squeeze %dma_start3A_151 : memref<1x200xi32, #tpu.memory_space<hbm>> -> memref<200xi32, #tpu.memory_space<hbm>>
    %dma_start3A_153 = arith.constant 2400 : i32
    %dma_start3A_154 = tpu.memref_slice %arg5[%dma_start3A_153] : memref<6400xi32, #tpu.memory_space<vmem>> -> memref<200xi32, #tpu.memory_space<vmem>>
    %dma_start3A_155 = arith.constant 0 : i32
    %dma_start3A_156 = tpu.memref_slice %arg2[%add3A_147, %dma_start3A_155] : memref<1024x200xi32, #tpu.memory_space<hbm>> -> memref<1x200xi32, #tpu.memory_space<hbm>>
    %dma_start3A_157 = tpu.memref_squeeze %dma_start3A_156 : memref<1x200xi32, #tpu.memory_space<hbm>> -> memref<200xi32, #tpu.memory_space<hbm>>
    tpu.enqueue_dma source(%dma_start3A_157 : memref<200xi32, #tpu.memory_space<hbm>>) target(%dma_start3A_154 : memref<200xi32, #tpu.memory_space<vmem>>) target_semaphore(%arg9 : memref<!tpu.dma_semaphore, #tpu.memory_space<semaphore_mem>>)
    %add3A_158 = arith.constant 13 : i32
    %add3A_159 = arith.addi %mul3A_2, %add3A_158 : i32
    %dma_start3A_160 = arith.constant 2600 : i32
    %dma_start3A_161 = tpu.memref_slice %arg5[%dma_start3A_160] : memref<6400xi32, #tpu.memory_space<vmem>> -> memref<200xi32, #tpu.memory_space<vmem>>
    %dma_start3A_162 = arith.constant 0 : i32
    %dma_start3A_163 = tpu.memref_slice %arg2[%add3A_159, %dma_start3A_162] : memref<1024x200xi32, #tpu.memory_space<hbm>> -> memref<1x200xi32, #tpu.memory_space<hbm>>
    %dma_start3A_164 = tpu.memref_squeeze %dma_start3A_163 : memref<1x200xi32, #tpu.memory_space<hbm>> -> memref<200xi32, #tpu.memory_space<hbm>>
    %dma_start3A_165 = arith.constant 2600 : i32
    %dma_start3A_166 = tpu.memref_slice %arg5[%dma_start3A_165] : memref<6400xi32, #tpu.memory_space<vmem>> -> memref<200xi32, #tpu.memory_space<vmem>>
    %dma_start3A_167 = arith.constant 0 : i32
    %dma_start3A_168 = tpu.memref_slice %arg2[%add3A_159, %dma_start3A_167] : memref<1024x200xi32, #tpu.memory_space<hbm>> -> memref<1x200xi32, #tpu.memory_space<hbm>>
    %dma_start3A_169 = tpu.memref_squeeze %dma_start3A_168 : memref<1x200xi32, #tpu.memory_space<hbm>> -> memref<200xi32, #tpu.memory_space<hbm>>
    tpu.enqueue_dma source(%dma_start3A_169 : memref<200xi32, #tpu.memory_space<hbm>>) target(%dma_start3A_166 : memref<200xi32, #tpu.memory_space<vmem>>) target_semaphore(%arg9 : memref<!tpu.dma_semaphore, #tpu.memory_space<semaphore_mem>>)
    %add3A_170 = arith.constant 14 : i32
    %add3A_171 = arith.addi %mul3A_2, %add3A_170 : i32
    %dma_start3A_172 = arith.constant 2800 : i32
    %dma_start3A_173 = tpu.memref_slice %arg5[%dma_start3A_172] : memref<6400xi32, #tpu.memory_space<vmem>> -> memref<200xi32, #tpu.memory_space<vmem>>
    %dma_start3A_174 = arith.constant 0 : i32
    %dma_start3A_175 = tpu.memref_slice %arg2[%add3A_171, %dma_start3A_174] : memref<1024x200xi32, #tpu.memory_space<hbm>> -> memref<1x200xi32, #tpu.memory_space<hbm>>
    %dma_start3A_176 = tpu.memref_squeeze %dma_start3A_175 : memref<1x200xi32, #tpu.memory_space<hbm>> -> memref<200xi32, #tpu.memory_space<hbm>>
    %dma_start3A_177 = arith.constant 2800 : i32
    %dma_start3A_178 = tpu.memref_slice %arg5[%dma_start3A_177] : memref<6400xi32, #tpu.memory_space<vmem>> -> memref<200xi32, #tpu.memory_space<vmem>>
    %dma_start3A_179 = arith.constant 0 : i32
    %dma_start3A_180 = tpu.memref_slice %arg2[%add3A_171, %dma_start3A_179] : memref<1024x200xi32, #tpu.memory_space<hbm>> -> memref<1x200xi32, #tpu.memory_space<hbm>>
    %dma_start3A_181 = tpu.memref_squeeze %dma_start3A_180 : memref<1x200xi32, #tpu.memory_space<hbm>> -> memref<200xi32, #tpu.memory_space<hbm>>
    tpu.enqueue_dma source(%dma_start3A_181 : memref<200xi32, #tpu.memory_space<hbm>>) target(%dma_start3A_178 : memref<200xi32, #tpu.memory_space<vmem>>) target_semaphore(%arg9 : memref<!tpu.dma_semaphore, #tpu.memory_space<semaphore_mem>>)
    %add3A_182 = arith.constant 15 : i32
    %add3A_183 = arith.addi %mul3A_2, %add3A_182 : i32
    %dma_start3A_184 = arith.constant 3000 : i32
    %dma_start3A_185 = tpu.memref_slice %arg5[%dma_start3A_184] : memref<6400xi32, #tpu.memory_space<vmem>> -> memref<200xi32, #tpu.memory_space<vmem>>
    %dma_start3A_186 = arith.constant 0 : i32
    %dma_start3A_187 = tpu.memref_slice %arg2[%add3A_183, %dma_start3A_186] : memref<1024x200xi32, #tpu.memory_space<hbm>> -> memref<1x200xi32, #tpu.memory_space<hbm>>
    %dma_start3A_188 = tpu.memref_squeeze %dma_start3A_187 : memref<1x200xi32, #tpu.memory_space<hbm>> -> memref<200xi32, #tpu.memory_space<hbm>>
    %dma_start3A_189 = arith.constant 3000 : i32
    %dma_start3A_190 = tpu.memref_slice %arg5[%dma_start3A_189] : memref<6400xi32, #tpu.memory_space<vmem>> -> memref<200xi32, #tpu.memory_space<vmem>>
    %dma_start3A_191 = arith.constant 0 : i32
    %dma_start3A_192 = tpu.memref_slice %arg2[%add3A_183, %dma_start3A_191] : memref<1024x200xi32, #tpu.memory_space<hbm>> -> memref<1x200xi32, #tpu.memory_space<hbm>>
    %dma_start3A_193 = tpu.memref_squeeze %dma_start3A_192 : memref<1x200xi32, #tpu.memory_space<hbm>> -> memref<200xi32, #tpu.memory_space<hbm>>
    tpu.enqueue_dma source(%dma_start3A_193 : memref<200xi32, #tpu.memory_space<hbm>>) target(%dma_start3A_190 : memref<200xi32, #tpu.memory_space<vmem>>) target_semaphore(%arg9 : memref<!tpu.dma_semaphore, #tpu.memory_space<semaphore_mem>>)
    %add3A_194 = arith.constant 16 : i32
    %add3A_195 = arith.addi %mul3A_2, %add3A_194 : i32
    %dma_start3A_196 = arith.constant 3200 : i32
    %dma_start3A_197 = tpu.memref_slice %arg5[%dma_start3A_196] : memref<6400xi32, #tpu.memory_space<vmem>> -> memref<200xi32, #tpu.memory_space<vmem>>
    %dma_start3A_198 = arith.constant 0 : i32
    %dma_start3A_199 = tpu.memref_slice %arg2[%add3A_195, %dma_start3A_198] : memref<1024x200xi32, #tpu.memory_space<hbm>> -> memref<1x200xi32, #tpu.memory_space<hbm>>
    %dma_start3A_200 = tpu.memref_squeeze %dma_start3A_199 : memref<1x200xi32, #tpu.memory_space<hbm>> -> memref<200xi32, #tpu.memory_space<hbm>>
    %dma_start3A_201 = arith.constant 3200 : i32
    %dma_start3A_202 = tpu.memref_slice %arg5[%dma_start3A_201] : memref<6400xi32, #tpu.memory_space<vmem>> -> memref<200xi32, #tpu.memory_space<vmem>>
    %dma_start3A_203 = arith.constant 0 : i32
    %dma_start3A_204 = tpu.memref_slice %arg2[%add3A_195, %dma_start3A_203] : memref<1024x200xi32, #tpu.memory_space<hbm>> -> memref<1x200xi32, #tpu.memory_space<hbm>>
    %dma_start3A_205 = tpu.memref_squeeze %dma_start3A_204 : memref<1x200xi32, #tpu.memory_space<hbm>> -> memref<200xi32, #tpu.memory_space<hbm>>
    tpu.enqueue_dma source(%dma_start3A_205 : memref<200xi32, #tpu.memory_space<hbm>>) target(%dma_start3A_202 : memref<200xi32, #tpu.memory_space<vmem>>) target_semaphore(%arg9 : memref<!tpu.dma_semaphore, #tpu.memory_space<semaphore_mem>>)
    %add3A_206 = arith.constant 17 : i32
    %add3A_207 = arith.addi %mul3A_2, %add3A_206 : i32
    %dma_start3A_208 = arith.constant 3400 : i32
    %dma_start3A_209 = tpu.memref_slice %arg5[%dma_start3A_208] : memref<6400xi32, #tpu.memory_space<vmem>> -> memref<200xi32, #tpu.memory_space<vmem>>
    %dma_start3A_210 = arith.constant 0 : i32
    %dma_start3A_211 = tpu.memref_slice %arg2[%add3A_207, %dma_start3A_210] : memref<1024x200xi32, #tpu.memory_space<hbm>> -> memref<1x200xi32, #tpu.memory_space<hbm>>
    %dma_start3A_212 = tpu.memref_squeeze %dma_start3A_211 : memref<1x200xi32, #tpu.memory_space<hbm>> -> memref<200xi32, #tpu.memory_space<hbm>>
    %dma_start3A_213 = arith.constant 3400 : i32
    %dma_start3A_214 = tpu.memref_slice %arg5[%dma_start3A_213] : memref<6400xi32, #tpu.memory_space<vmem>> -> memref<200xi32, #tpu.memory_space<vmem>>
    %dma_start3A_215 = arith.constant 0 : i32
    %dma_start3A_216 = tpu.memref_slice %arg2[%add3A_207, %dma_start3A_215] : memref<1024x200xi32, #tpu.memory_space<hbm>> -> memref<1x200xi32, #tpu.memory_space<hbm>>
    %dma_start3A_217 = tpu.memref_squeeze %dma_start3A_216 : memref<1x200xi32, #tpu.memory_space<hbm>> -> memref<200xi32, #tpu.memory_space<hbm>>
    tpu.enqueue_dma source(%dma_start3A_217 : memref<200xi32, #tpu.memory_space<hbm>>) target(%dma_start3A_214 : memref<200xi32, #tpu.memory_space<vmem>>) target_semaphore(%arg9 : memref<!tpu.dma_semaphore, #tpu.memory_space<semaphore_mem>>)
    %add3A_218 = arith.constant 18 : i32
    %add3A_219 = arith.addi %mul3A_2, %add3A_218 : i32
    %dma_start3A_220 = arith.constant 3600 : i32
    %dma_start3A_221 = tpu.memref_slice %arg5[%dma_start3A_220] : memref<6400xi32, #tpu.memory_space<vmem>> -> memref<200xi32, #tpu.memory_space<vmem>>
    %dma_start3A_222 = arith.constant 0 : i32
    %dma_start3A_223 = tpu.memref_slice %arg2[%add3A_219, %dma_start3A_222] : memref<1024x200xi32, #tpu.memory_space<hbm>> -> memref<1x200xi32, #tpu.memory_space<hbm>>
    %dma_start3A_224 = tpu.memref_squeeze %dma_start3A_223 : memref<1x200xi32, #tpu.memory_space<hbm>> -> memref<200xi32, #tpu.memory_space<hbm>>
    %dma_start3A_225 = arith.constant 3600 : i32
    %dma_start3A_226 = tpu.memref_slice %arg5[%dma_start3A_225] : memref<6400xi32, #tpu.memory_space<vmem>> -> memref<200xi32, #tpu.memory_space<vmem>>
    %dma_start3A_227 = arith.constant 0 : i32
    %dma_start3A_228 = tpu.memref_slice %arg2[%add3A_219, %dma_start3A_227] : memref<1024x200xi32, #tpu.memory_space<hbm>> -> memref<1x200xi32, #tpu.memory_space<hbm>>
    %dma_start3A_229 = tpu.memref_squeeze %dma_start3A_228 : memref<1x200xi32, #tpu.memory_space<hbm>> -> memref<200xi32, #tpu.memory_space<hbm>>
    tpu.enqueue_dma source(%dma_start3A_229 : memref<200xi32, #tpu.memory_space<hbm>>) target(%dma_start3A_226 : memref<200xi32, #tpu.memory_space<vmem>>) target_semaphore(%arg9 : memref<!tpu.dma_semaphore, #tpu.memory_space<semaphore_mem>>)
    %add3A_230 = arith.constant 19 : i32
    %add3A_231 = arith.addi %mul3A_2, %add3A_230 : i32
    %dma_start3A_232 = arith.constant 3800 : i32
    %dma_start3A_233 = tpu.memref_slice %arg5[%dma_start3A_232] : memref<6400xi32, #tpu.memory_space<vmem>> -> memref<200xi32, #tpu.memory_space<vmem>>
    %dma_start3A_234 = arith.constant 0 : i32
    %dma_start3A_235 = tpu.memref_slice %arg2[%add3A_231, %dma_start3A_234] : memref<1024x200xi32, #tpu.memory_space<hbm>> -> memref<1x200xi32, #tpu.memory_space<hbm>>
    %dma_start3A_236 = tpu.memref_squeeze %dma_start3A_235 : memref<1x200xi32, #tpu.memory_space<hbm>> -> memref<200xi32, #tpu.memory_space<hbm>>
    %dma_start3A_237 = arith.constant 3800 : i32
    %dma_start3A_238 = tpu.memref_slice %arg5[%dma_start3A_237] : memref<6400xi32, #tpu.memory_space<vmem>> -> memref<200xi32, #tpu.memory_space<vmem>>
    %dma_start3A_239 = arith.constant 0 : i32
    %dma_start3A_240 = tpu.memref_slice %arg2[%add3A_231, %dma_start3A_239] : memref<1024x200xi32, #tpu.memory_space<hbm>> -> memref<1x200xi32, #tpu.memory_space<hbm>>
    %dma_start3A_241 = tpu.memref_squeeze %dma_start3A_240 : memref<1x200xi32, #tpu.memory_space<hbm>> -> memref<200xi32, #tpu.memory_space<hbm>>
    tpu.enqueue_dma source(%dma_start3A_241 : memref<200xi32, #tpu.memory_space<hbm>>) target(%dma_start3A_238 : memref<200xi32, #tpu.memory_space<vmem>>) target_semaphore(%arg9 : memref<!tpu.dma_semaphore, #tpu.memory_space<semaphore_mem>>)
    %add3A_242 = arith.constant 20 : i32
    %add3A_243 = arith.addi %mul3A_2, %add3A_242 : i32
    %dma_start3A_244 = arith.constant 4000 : i32
    %dma_start3A_245 = tpu.memref_slice %arg5[%dma_start3A_244] : memref<6400xi32, #tpu.memory_space<vmem>> -> memref<200xi32, #tpu.memory_space<vmem>>
    %dma_start3A_246 = arith.constant 0 : i32
    %dma_start3A_247 = tpu.memref_slice %arg2[%add3A_243, %dma_start3A_246] : memref<1024x200xi32, #tpu.memory_space<hbm>> -> memref<1x200xi32, #tpu.memory_space<hbm>>
    %dma_start3A_248 = tpu.memref_squeeze %dma_start3A_247 : memref<1x200xi32, #tpu.memory_space<hbm>> -> memref<200xi32, #tpu.memory_space<hbm>>
    %dma_start3A_249 = arith.constant 4000 : i32
    %dma_start3A_250 = tpu.memref_slice %arg5[%dma_start3A_249] : memref<6400xi32, #tpu.memory_space<vmem>> -> memref<200xi32, #tpu.memory_space<vmem>>
    %dma_start3A_251 = arith.constant 0 : i32
    %dma_start3A_252 = tpu.memref_slice %arg2[%add3A_243, %dma_start3A_251] : memref<1024x200xi32, #tpu.memory_space<hbm>> -> memref<1x200xi32, #tpu.memory_space<hbm>>
    %dma_start3A_253 = tpu.memref_squeeze %dma_start3A_252 : memref<1x200xi32, #tpu.memory_space<hbm>> -> memref<200xi32, #tpu.memory_space<hbm>>
    tpu.enqueue_dma source(%dma_start3A_253 : memref<200xi32, #tpu.memory_space<hbm>>) target(%dma_start3A_250 : memref<200xi32, #tpu.memory_space<vmem>>) target_semaphore(%arg9 : memref<!tpu.dma_semaphore, #tpu.memory_space<semaphore_mem>>)
    %add3A_254 = arith.constant 21 : i32
    %add3A_255 = arith.addi %mul3A_2, %add3A_254 : i32
    %dma_start3A_256 = arith.constant 4200 : i32
    %dma_start3A_257 = tpu.memref_slice %arg5[%dma_start3A_256] : memref<6400xi32, #tpu.memory_space<vmem>> -> memref<200xi32, #tpu.memory_space<vmem>>
    %dma_start3A_258 = arith.constant 0 : i32
    %dma_start3A_259 = tpu.memref_slice %arg2[%add3A_255, %dma_start3A_258] : memref<1024x200xi32, #tpu.memory_space<hbm>> -> memref<1x200xi32, #tpu.memory_space<hbm>>
    %dma_start3A_260 = tpu.memref_squeeze %dma_start3A_259 : memref<1x200xi32, #tpu.memory_space<hbm>> -> memref<200xi32, #tpu.memory_space<hbm>>
    %dma_start3A_261 = arith.constant 4200 : i32
    %dma_start3A_262 = tpu.memref_slice %arg5[%dma_start3A_261] : memref<6400xi32, #tpu.memory_space<vmem>> -> memref<200xi32, #tpu.memory_space<vmem>>
    %dma_start3A_263 = arith.constant 0 : i32
    %dma_start3A_264 = tpu.memref_slice %arg2[%add3A_255, %dma_start3A_263] : memref<1024x200xi32, #tpu.memory_space<hbm>> -> memref<1x200xi32, #tpu.memory_space<hbm>>
    %dma_start3A_265 = tpu.memref_squeeze %dma_start3A_264 : memref<1x200xi32, #tpu.memory_space<hbm>> -> memref<200xi32, #tpu.memory_space<hbm>>
    tpu.enqueue_dma source(%dma_start3A_265 : memref<200xi32, #tpu.memory_space<hbm>>) target(%dma_start3A_262 : memref<200xi32, #tpu.memory_space<vmem>>) target_semaphore(%arg9 : memref<!tpu.dma_semaphore, #tpu.memory_space<semaphore_mem>>)
    %add3A_266 = arith.constant 22 : i32
    %add3A_267 = arith.addi %mul3A_2, %add3A_266 : i32
    %dma_start3A_268 = arith.constant 4400 : i32
    %dma_start3A_269 = tpu.memref_slice %arg5[%dma_start3A_268] : memref<6400xi32, #tpu.memory_space<vmem>> -> memref<200xi32, #tpu.memory_space<vmem>>
    %dma_start3A_270 = arith.constant 0 : i32
    %dma_start3A_271 = tpu.memref_slice %arg2[%add3A_267, %dma_start3A_270] : memref<1024x200xi32, #tpu.memory_space<hbm>> -> memref<1x200xi32, #tpu.memory_space<hbm>>
    %dma_start3A_272 = tpu.memref_squeeze %dma_start3A_271 : memref<1x200xi32, #tpu.memory_space<hbm>> -> memref<200xi32, #tpu.memory_space<hbm>>
    %dma_start3A_273 = arith.constant 4400 : i32
    %dma_start3A_274 = tpu.memref_slice %arg5[%dma_start3A_273] : memref<6400xi32, #tpu.memory_space<vmem>> -> memref<200xi32, #tpu.memory_space<vmem>>
    %dma_start3A_275 = arith.constant 0 : i32
    %dma_start3A_276 = tpu.memref_slice %arg2[%add3A_267, %dma_start3A_275] : memref<1024x200xi32, #tpu.memory_space<hbm>> -> memref<1x200xi32, #tpu.memory_space<hbm>>
    %dma_start3A_277 = tpu.memref_squeeze %dma_start3A_276 : memref<1x200xi32, #tpu.memory_space<hbm>> -> memref<200xi32, #tpu.memory_space<hbm>>
    tpu.enqueue_dma source(%dma_start3A_277 : memref<200xi32, #tpu.memory_space<hbm>>) target(%dma_start3A_274 : memref<200xi32, #tpu.memory_space<vmem>>) target_semaphore(%arg9 : memref<!tpu.dma_semaphore, #tpu.memory_space<semaphore_mem>>)
    %add3A_278 = arith.constant 23 : i32
    %add3A_279 = arith.addi %mul3A_2, %add3A_278 : i32
    %dma_start3A_280 = arith.constant 4600 : i32
    %dma_start3A_281 = tpu.memref_slice %arg5[%dma_start3A_280] : memref<6400xi32, #tpu.memory_space<vmem>> -> memref<200xi32, #tpu.memory_space<vmem>>
    %dma_start3A_282 = arith.constant 0 : i32
    %dma_start3A_283 = tpu.memref_slice %arg2[%add3A_279, %dma_start3A_282] : memref<1024x200xi32, #tpu.memory_space<hbm>> -> memref<1x200xi32, #tpu.memory_space<hbm>>
    %dma_start3A_284 = tpu.memref_squeeze %dma_start3A_283 : memref<1x200xi32, #tpu.memory_space<hbm>> -> memref<200xi32, #tpu.memory_space<hbm>>
    %dma_start3A_285 = arith.constant 4600 : i32
    %dma_start3A_286 = tpu.memref_slice %arg5[%dma_start3A_285] : memref<6400xi32, #tpu.memory_space<vmem>> -> memref<200xi32, #tpu.memory_space<vmem>>
    %dma_start3A_287 = arith.constant 0 : i32
    %dma_start3A_288 = tpu.memref_slice %arg2[%add3A_279, %dma_start3A_287] : memref<1024x200xi32, #tpu.memory_space<hbm>> -> memref<1x200xi32, #tpu.memory_space<hbm>>
    %dma_start3A_289 = tpu.memref_squeeze %dma_start3A_288 : memref<1x200xi32, #tpu.memory_space<hbm>> -> memref<200xi32, #tpu.memory_space<hbm>>
    tpu.enqueue_dma source(%dma_start3A_289 : memref<200xi32, #tpu.memory_space<hbm>>) target(%dma_start3A_286 : memref<200xi32, #tpu.memory_space<vmem>>) target_semaphore(%arg9 : memref<!tpu.dma_semaphore, #tpu.memory_space<semaphore_mem>>)
    %add3A_290 = arith.constant 24 : i32
    %add3A_291 = arith.addi %mul3A_2, %add3A_290 : i32
    %dma_start3A_292 = arith.constant 4800 : i32
    %dma_start3A_293 = tpu.memref_slice %arg5[%dma_start3A_292] : memref<6400xi32, #tpu.memory_space<vmem>> -> memref<200xi32, #tpu.memory_space<vmem>>
    %dma_start3A_294 = arith.constant 0 : i32
    %dma_start3A_295 = tpu.memref_slice %arg2[%add3A_291, %dma_start3A_294] : memref<1024x200xi32, #tpu.memory_space<hbm>> -> memref<1x200xi32, #tpu.memory_space<hbm>>
    %dma_start3A_296 = tpu.memref_squeeze %dma_start3A_295 : memref<1x200xi32, #tpu.memory_space<hbm>> -> memref<200xi32, #tpu.memory_space<hbm>>
    %dma_start3A_297 = arith.constant 4800 : i32
    %dma_start3A_298 = tpu.memref_slice %arg5[%dma_start3A_297] : memref<6400xi32, #tpu.memory_space<vmem>> -> memref<200xi32, #tpu.memory_space<vmem>>
    %dma_start3A_299 = arith.constant 0 : i32
    %dma_start3A_300 = tpu.memref_slice %arg2[%add3A_291, %dma_start3A_299] : memref<1024x200xi32, #tpu.memory_space<hbm>> -> memref<1x200xi32, #tpu.memory_space<hbm>>
    %dma_start3A_301 = tpu.memref_squeeze %dma_start3A_300 : memref<1x200xi32, #tpu.memory_space<hbm>> -> memref<200xi32, #tpu.memory_space<hbm>>
    tpu.enqueue_dma source(%dma_start3A_301 : memref<200xi32, #tpu.memory_space<hbm>>) target(%dma_start3A_298 : memref<200xi32, #tpu.memory_space<vmem>>) target_semaphore(%arg9 : memref<!tpu.dma_semaphore, #tpu.memory_space<semaphore_mem>>)
    %add3A_302 = arith.constant 25 : i32
    %add3A_303 = arith.addi %mul3A_2, %add3A_302 : i32
    %dma_start3A_304 = arith.constant 5000 : i32
    %dma_start3A_305 = tpu.memref_slice %arg5[%dma_start3A_304] : memref<6400xi32, #tpu.memory_space<vmem>> -> memref<200xi32, #tpu.memory_space<vmem>>
    %dma_start3A_306 = arith.constant 0 : i32
    %dma_start3A_307 = tpu.memref_slice %arg2[%add3A_303, %dma_start3A_306] : memref<1024x200xi32, #tpu.memory_space<hbm>> -> memref<1x200xi32, #tpu.memory_space<hbm>>
    %dma_start3A_308 = tpu.memref_squeeze %dma_start3A_307 : memref<1x200xi32, #tpu.memory_space<hbm>> -> memref<200xi32, #tpu.memory_space<hbm>>
    %dma_start3A_309 = arith.constant 5000 : i32
    %dma_start3A_310 = tpu.memref_slice %arg5[%dma_start3A_309] : memref<6400xi32, #tpu.memory_space<vmem>> -> memref<200xi32, #tpu.memory_space<vmem>>
    %dma_start3A_311 = arith.constant 0 : i32
    %dma_start3A_312 = tpu.memref_slice %arg2[%add3A_303, %dma_start3A_311] : memref<1024x200xi32, #tpu.memory_space<hbm>> -> memref<1x200xi32, #tpu.memory_space<hbm>>
    %dma_start3A_313 = tpu.memref_squeeze %dma_start3A_312 : memref<1x200xi32, #tpu.memory_space<hbm>> -> memref<200xi32, #tpu.memory_space<hbm>>
    tpu.enqueue_dma source(%dma_start3A_313 : memref<200xi32, #tpu.memory_space<hbm>>) target(%dma_start3A_310 : memref<200xi32, #tpu.memory_space<vmem>>) target_semaphore(%arg9 : memref<!tpu.dma_semaphore, #tpu.memory_space<semaphore_mem>>)
    %add3A_314 = arith.constant 26 : i32
    %add3A_315 = arith.addi %mul3A_2, %add3A_314 : i32
    %dma_start3A_316 = arith.constant 5200 : i32
    %dma_start3A_317 = tpu.memref_slice %arg5[%dma_start3A_316] : memref<6400xi32, #tpu.memory_space<vmem>> -> memref<200xi32, #tpu.memory_space<vmem>>
    %dma_start3A_318 = arith.constant 0 : i32
    %dma_start3A_319 = tpu.memref_slice %arg2[%add3A_315, %dma_start3A_318] : memref<1024x200xi32, #tpu.memory_space<hbm>> -> memref<1x200xi32, #tpu.memory_space<hbm>>
    %dma_start3A_320 = tpu.memref_squeeze %dma_start3A_319 : memref<1x200xi32, #tpu.memory_space<hbm>> -> memref<200xi32, #tpu.memory_space<hbm>>
    %dma_start3A_321 = arith.constant 5200 : i32
    %dma_start3A_322 = tpu.memref_slice %arg5[%dma_start3A_321] : memref<6400xi32, #tpu.memory_space<vmem>> -> memref<200xi32, #tpu.memory_space<vmem>>
    %dma_start3A_323 = arith.constant 0 : i32
    %dma_start3A_324 = tpu.memref_slice %arg2[%add3A_315, %dma_start3A_323] : memref<1024x200xi32, #tpu.memory_space<hbm>> -> memref<1x200xi32, #tpu.memory_space<hbm>>
    %dma_start3A_325 = tpu.memref_squeeze %dma_start3A_324 : memref<1x200xi32, #tpu.memory_space<hbm>> -> memref<200xi32, #tpu.memory_space<hbm>>
    tpu.enqueue_dma source(%dma_start3A_325 : memref<200xi32, #tpu.memory_space<hbm>>) target(%dma_start3A_322 : memref<200xi32, #tpu.memory_space<vmem>>) target_semaphore(%arg9 : memref<!tpu.dma_semaphore, #tpu.memory_space<semaphore_mem>>)
    %add3A_326 = arith.constant 27 : i32
    %add3A_327 = arith.addi %mul3A_2, %add3A_326 : i32
    %dma_start3A_328 = arith.constant 5400 : i32
    %dma_start3A_329 = tpu.memref_slice %arg5[%dma_start3A_328] : memref<6400xi32, #tpu.memory_space<vmem>> -> memref<200xi32, #tpu.memory_space<vmem>>
    %dma_start3A_330 = arith.constant 0 : i32
    %dma_start3A_331 = tpu.memref_slice %arg2[%add3A_327, %dma_start3A_330] : memref<1024x200xi32, #tpu.memory_space<hbm>> -> memref<1x200xi32, #tpu.memory_space<hbm>>
    %dma_start3A_332 = tpu.memref_squeeze %dma_start3A_331 : memref<1x200xi32, #tpu.memory_space<hbm>> -> memref<200xi32, #tpu.memory_space<hbm>>
    %dma_start3A_333 = arith.constant 5400 : i32
    %dma_start3A_334 = tpu.memref_slice %arg5[%dma_start3A_333] : memref<6400xi32, #tpu.memory_space<vmem>> -> memref<200xi32, #tpu.memory_space<vmem>>
    %dma_start3A_335 = arith.constant 0 : i32
    %dma_start3A_336 = tpu.memref_slice %arg2[%add3A_327, %dma_start3A_335] : memref<1024x200xi32, #tpu.memory_space<hbm>> -> memref<1x200xi32, #tpu.memory_space<hbm>>
    %dma_start3A_337 = tpu.memref_squeeze %dma_start3A_336 : memref<1x200xi32, #tpu.memory_space<hbm>> -> memref<200xi32, #tpu.memory_space<hbm>>
    tpu.enqueue_dma source(%dma_start3A_337 : memref<200xi32, #tpu.memory_space<hbm>>) target(%dma_start3A_334 : memref<200xi32, #tpu.memory_space<vmem>>) target_semaphore(%arg9 : memref<!tpu.dma_semaphore, #tpu.memory_space<semaphore_mem>>)
    %add3A_338 = arith.constant 28 : i32
    %add3A_339 = arith.addi %mul3A_2, %add3A_338 : i32
    %dma_start3A_340 = arith.constant 5600 : i32
    %dma_start3A_341 = tpu.memref_slice %arg5[%dma_start3A_340] : memref<6400xi32, #tpu.memory_space<vmem>> -> memref<200xi32, #tpu.memory_space<vmem>>
    %dma_start3A_342 = arith.constant 0 : i32
    %dma_start3A_343 = tpu.memref_slice %arg2[%add3A_339, %dma_start3A_342] : memref<1024x200xi32, #tpu.memory_space<hbm>> -> memref<1x200xi32, #tpu.memory_space<hbm>>
    %dma_start3A_344 = tpu.memref_squeeze %dma_start3A_343 : memref<1x200xi32, #tpu.memory_space<hbm>> -> memref<200xi32, #tpu.memory_space<hbm>>
    %dma_start3A_345 = arith.constant 5600 : i32
    %dma_start3A_346 = tpu.memref_slice %arg5[%dma_start3A_345] : memref<6400xi32, #tpu.memory_space<vmem>> -> memref<200xi32, #tpu.memory_space<vmem>>
    %dma_start3A_347 = arith.constant 0 : i32
    %dma_start3A_348 = tpu.memref_slice %arg2[%add3A_339, %dma_start3A_347] : memref<1024x200xi32, #tpu.memory_space<hbm>> -> memref<1x200xi32, #tpu.memory_space<hbm>>
    %dma_start3A_349 = tpu.memref_squeeze %dma_start3A_348 : memref<1x200xi32, #tpu.memory_space<hbm>> -> memref<200xi32, #tpu.memory_space<hbm>>
    tpu.enqueue_dma source(%dma_start3A_349 : memref<200xi32, #tpu.memory_space<hbm>>) target(%dma_start3A_346 : memref<200xi32, #tpu.memory_space<vmem>>) target_semaphore(%arg9 : memref<!tpu.dma_semaphore, #tpu.memory_space<semaphore_mem>>)
    %add3A_350 = arith.constant 29 : i32
    %add3A_351 = arith.addi %mul3A_2, %add3A_350 : i32
    %dma_start3A_352 = arith.constant 5800 : i32
    %dma_start3A_353 = tpu.memref_slice %arg5[%dma_start3A_352] : memref<6400xi32, #tpu.memory_space<vmem>> -> memref<200xi32, #tpu.memory_space<vmem>>
    %dma_start3A_354 = arith.constant 0 : i32
    %dma_start3A_355 = tpu.memref_slice %arg2[%add3A_351, %dma_start3A_354] : memref<1024x200xi32, #tpu.memory_space<hbm>> -> memref<1x200xi32, #tpu.memory_space<hbm>>
    %dma_start3A_356 = tpu.memref_squeeze %dma_start3A_355 : memref<1x200xi32, #tpu.memory_space<hbm>> -> memref<200xi32, #tpu.memory_space<hbm>>
    %dma_start3A_357 = arith.constant 5800 : i32
    %dma_start3A_358 = tpu.memref_slice %arg5[%dma_start3A_357] : memref<6400xi32, #tpu.memory_space<vmem>> -> memref<200xi32, #tpu.memory_space<vmem>>
    %dma_start3A_359 = arith.constant 0 : i32
    %dma_start3A_360 = tpu.memref_slice %arg2[%add3A_351, %dma_start3A_359] : memref<1024x200xi32, #tpu.memory_space<hbm>> -> memref<1x200xi32, #tpu.memory_space<hbm>>
    %dma_start3A_361 = tpu.memref_squeeze %dma_start3A_360 : memref<1x200xi32, #tpu.memory_space<hbm>> -> memref<200xi32, #tpu.memory_space<hbm>>
    tpu.enqueue_dma source(%dma_start3A_361 : memref<200xi32, #tpu.memory_space<hbm>>) target(%dma_start3A_358 : memref<200xi32, #tpu.memory_space<vmem>>) target_semaphore(%arg9 : memref<!tpu.dma_semaphore, #tpu.memory_space<semaphore_mem>>)
    %add3A_362 = arith.constant 30 : i32
    %add3A_363 = arith.addi %mul3A_2, %add3A_362 : i32
    %dma_start3A_364 = arith.constant 6000 : i32
    %dma_start3A_365 = tpu.memref_slice %arg5[%dma_start3A_364] : memref<6400xi32, #tpu.memory_space<vmem>> -> memref<200xi32, #tpu.memory_space<vmem>>
    %dma_start3A_366 = arith.constant 0 : i32
    %dma_start3A_367 = tpu.memref_slice %arg2[%add3A_363, %dma_start3A_366] : memref<1024x200xi32, #tpu.memory_space<hbm>> -> memref<1x200xi32, #tpu.memory_space<hbm>>
    %dma_start3A_368 = tpu.memref_squeeze %dma_start3A_367 : memref<1x200xi32, #tpu.memory_space<hbm>> -> memref<200xi32, #tpu.memory_space<hbm>>
    %dma_start3A_369 = arith.constant 6000 : i32
    %dma_start3A_370 = tpu.memref_slice %arg5[%dma_start3A_369] : memref<6400xi32, #tpu.memory_space<vmem>> -> memref<200xi32, #tpu.memory_space<vmem>>
    %dma_start3A_371 = arith.constant 0 : i32
    %dma_start3A_372 = tpu.memref_slice %arg2[%add3A_363, %dma_start3A_371] : memref<1024x200xi32, #tpu.memory_space<hbm>> -> memref<1x200xi32, #tpu.memory_space<hbm>>
    %dma_start3A_373 = tpu.memref_squeeze %dma_start3A_372 : memref<1x200xi32, #tpu.memory_space<hbm>> -> memref<200xi32, #tpu.memory_space<hbm>>
    tpu.enqueue_dma source(%dma_start3A_373 : memref<200xi32, #tpu.memory_space<hbm>>) target(%dma_start3A_370 : memref<200xi32, #tpu.memory_space<vmem>>) target_semaphore(%arg9 : memref<!tpu.dma_semaphore, #tpu.memory_space<semaphore_mem>>)
    %add3A_374 = arith.constant 31 : i32
    %add3A_375 = arith.addi %mul3A_2, %add3A_374 : i32
    %dma_start3A_376 = arith.constant 6200 : i32
    %dma_start3A_377 = tpu.memref_slice %arg5[%dma_start3A_376] : memref<6400xi32, #tpu.memory_space<vmem>> -> memref<200xi32, #tpu.memory_space<vmem>>
    %dma_start3A_378 = arith.constant 0 : i32
    %dma_start3A_379 = tpu.memref_slice %arg2[%add3A_375, %dma_start3A_378] : memref<1024x200xi32, #tpu.memory_space<hbm>> -> memref<1x200xi32, #tpu.memory_space<hbm>>
    %dma_start3A_380 = tpu.memref_squeeze %dma_start3A_379 : memref<1x200xi32, #tpu.memory_space<hbm>> -> memref<200xi32, #tpu.memory_space<hbm>>
    %dma_start3A_381 = arith.constant 6200 : i32
    %dma_start3A_382 = tpu.memref_slice %arg5[%dma_start3A_381] : memref<6400xi32, #tpu.memory_space<vmem>> -> memref<200xi32, #tpu.memory_space<vmem>>
    %dma_start3A_383 = arith.constant 0 : i32
    %dma_start3A_384 = tpu.memref_slice %arg2[%add3A_375, %dma_start3A_383] : memref<1024x200xi32, #tpu.memory_space<hbm>> -> memref<1x200xi32, #tpu.memory_space<hbm>>
    %dma_start3A_385 = tpu.memref_squeeze %dma_start3A_384 : memref<1x200xi32, #tpu.memory_space<hbm>> -> memref<200xi32, #tpu.memory_space<hbm>>
    tpu.enqueue_dma source(%dma_start3A_385 : memref<200xi32, #tpu.memory_space<hbm>>) target(%dma_start3A_382 : memref<200xi32, #tpu.memory_space<vmem>>) target_semaphore(%arg9 : memref<!tpu.dma_semaphore, #tpu.memory_space<semaphore_mem>>)
    %dma_wait3A = arith.constant 0 : i32
    %dma_wait3A_386 = arith.constant 0 : i32
    %dma_wait3A_387 = tpu.memref_slice %arg5[%dma_wait3A_386] : memref<6400xi32, #tpu.memory_space<vmem>> -> memref<200xi32, #tpu.memory_space<vmem>>
    %dma_wait3A_388 = arith.constant 0 : i32
    %dma_wait3A_389 = tpu.memref_slice %arg2[%dma_wait3A, %dma_wait3A_388] : memref<1024x200xi32, #tpu.memory_space<hbm>> -> memref<1x200xi32, #tpu.memory_space<hbm>>
    %dma_wait3A_390 = tpu.memref_squeeze %dma_wait3A_389 : memref<1x200xi32, #tpu.memory_space<hbm>> -> memref<200xi32, #tpu.memory_space<hbm>>
    %dma_wait3A_391 = arith.constant 0 : i32
    %dma_wait3A_392 = tpu.memref_slice %arg5[%dma_wait3A_391] : memref<6400xi32, #tpu.memory_space<vmem>> -> memref<200xi32, #tpu.memory_space<vmem>>
    %dma_wait3A_393 = arith.constant 0 : i32
    %dma_wait3A_394 = tpu.memref_slice %arg2[%dma_wait3A, %dma_wait3A_393] : memref<1024x200xi32, #tpu.memory_space<hbm>> -> memref<1x200xi32, #tpu.memory_space<hbm>>
    %dma_wait3A_395 = tpu.memref_squeeze %dma_wait3A_394 : memref<1x200xi32, #tpu.memory_space<hbm>> -> memref<200xi32, #tpu.memory_space<hbm>>
    tpu.wait_dma2 semaphore(%arg9 : memref<!tpu.dma_semaphore, #tpu.memory_space<semaphore_mem>>) src(%dma_wait3A_395 : memref<200xi32, #tpu.memory_space<hbm>>) dst(%dma_wait3A_392 : memref<200xi32, #tpu.memory_space<vmem>>)
    %dma_wait3A_396 = arith.constant 0 : i32
    %dma_wait3A_397 = arith.constant 200 : i32
    %dma_wait3A_398 = tpu.memref_slice %arg5[%dma_wait3A_397] : memref<6400xi32, #tpu.memory_space<vmem>> -> memref<200xi32, #tpu.memory_space<vmem>>
    %dma_wait3A_399 = arith.constant 0 : i32
    %dma_wait3A_400 = tpu.memref_slice %arg2[%dma_wait3A_396, %dma_wait3A_399] : memref<1024x200xi32, #tpu.memory_space<hbm>> -> memref<1x200xi32, #tpu.memory_space<hbm>>
    %dma_wait3A_401 = tpu.memref_squeeze %dma_wait3A_400 : memref<1x200xi32, #tpu.memory_space<hbm>> -> memref<200xi32, #tpu.memory_space<hbm>>
    %dma_wait3A_402 = arith.constant 200 : i32
    %dma_wait3A_403 = tpu.memref_slice %arg5[%dma_wait3A_402] : memref<6400xi32, #tpu.memory_space<vmem>> -> memref<200xi32, #tpu.memory_space<vmem>>
    %dma_wait3A_404 = arith.constant 0 : i32
    %dma_wait3A_405 = tpu.memref_slice %arg2[%dma_wait3A_396, %dma_wait3A_404] : memref<1024x200xi32, #tpu.memory_space<hbm>> -> memref<1x200xi32, #tpu.memory_space<hbm>>
    %dma_wait3A_406 = tpu.memref_squeeze %dma_wait3A_405 : memref<1x200xi32, #tpu.memory_space<hbm>> -> memref<200xi32, #tpu.memory_space<hbm>>
    tpu.wait_dma2 semaphore(%arg9 : memref<!tpu.dma_semaphore, #tpu.memory_space<semaphore_mem>>) src(%dma_wait3A_406 : memref<200xi32, #tpu.memory_space<hbm>>) dst(%dma_wait3A_403 : memref<200xi32, #tpu.memory_space<vmem>>)
    %dma_wait3A_407 = arith.constant 0 : i32
    %dma_wait3A_408 = arith.constant 400 : i32
    %dma_wait3A_409 = tpu.memref_slice %arg5[%dma_wait3A_408] : memref<6400xi32, #tpu.memory_space<vmem>> -> memref<200xi32, #tpu.memory_space<vmem>>
    %dma_wait3A_410 = arith.constant 0 : i32
    %dma_wait3A_411 = tpu.memref_slice %arg2[%dma_wait3A_407, %dma_wait3A_410] : memref<1024x200xi32, #tpu.memory_space<hbm>> -> memref<1x200xi32, #tpu.memory_space<hbm>>
    %dma_wait3A_412 = tpu.memref_squeeze %dma_wait3A_411 : memref<1x200xi32, #tpu.memory_space<hbm>> -> memref<200xi32, #tpu.memory_space<hbm>>
    %dma_wait3A_413 = arith.constant 400 : i32
    %dma_wait3A_414 = tpu.memref_slice %arg5[%dma_wait3A_413] : memref<6400xi32, #tpu.memory_space<vmem>> -> memref<200xi32, #tpu.memory_space<vmem>>
    %dma_wait3A_415 = arith.constant 0 : i32
    %dma_wait3A_416 = tpu.memref_slice %arg2[%dma_wait3A_407, %dma_wait3A_415] : memref<1024x200xi32, #tpu.memory_space<hbm>> -> memref<1x200xi32, #tpu.memory_space<hbm>>
    %dma_wait3A_417 = tpu.memref_squeeze %dma_wait3A_416 : memref<1x200xi32, #tpu.memory_space<hbm>> -> memref<200xi32, #tpu.memory_space<hbm>>
    tpu.wait_dma2 semaphore(%arg9 : memref<!tpu.dma_semaphore, #tpu.memory_space<semaphore_mem>>) src(%dma_wait3A_417 : memref<200xi32, #tpu.memory_space<hbm>>) dst(%dma_wait3A_414 : memref<200xi32, #tpu.memory_space<vmem>>)
    %dma_wait3A_418 = arith.constant 0 : i32
    %dma_wait3A_419 = arith.constant 600 : i32
    %dma_wait3A_420 = tpu.memref_slice %arg5[%dma_wait3A_419] : memref<6400xi32, #tpu.memory_space<vmem>> -> memref<200xi32, #tpu.memory_space<vmem>>
    %dma_wait3A_421 = arith.constant 0 : i32
    %dma_wait3A_422 = tpu.memref_slice %arg2[%dma_wait3A_418, %dma_wait3A_421] : memref<1024x200xi32, #tpu.memory_space<hbm>> -> memref<1x200xi32, #tpu.memory_space<hbm>>
    %dma_wait3A_423 = tpu.memref_squeeze %dma_wait3A_422 : memref<1x200xi32, #tpu.memory_space<hbm>> -> memref<200xi32, #tpu.memory_space<hbm>>
    %dma_wait3A_424 = arith.constant 600 : i32
    %dma_wait3A_425 = tpu.memref_slice %arg5[%dma_wait3A_424] : memref<6400xi32, #tpu.memory_space<vmem>> -> memref<200xi32, #tpu.memory_space<vmem>>
    %dma_wait3A_426 = arith.constant 0 : i32
    %dma_wait3A_427 = tpu.memref_slice %arg2[%dma_wait3A_418, %dma_wait3A_426] : memref<1024x200xi32, #tpu.memory_space<hbm>> -> memref<1x200xi32, #tpu.memory_space<hbm>>
    %dma_wait3A_428 = tpu.memref_squeeze %dma_wait3A_427 : memref<1x200xi32, #tpu.memory_space<hbm>> -> memref<200xi32, #tpu.memory_space<hbm>>
    tpu.wait_dma2 semaphore(%arg9 : memref<!tpu.dma_semaphore, #tpu.memory_space<semaphore_mem>>) src(%dma_wait3A_428 : memref<200xi32, #tpu.memory_space<hbm>>) dst(%dma_wait3A_425 : memref<200xi32, #tpu.memory_space<vmem>>)
    %dma_wait3A_429 = arith.constant 0 : i32
    %dma_wait3A_430 = arith.constant 800 : i32
    %dma_wait3A_431 = tpu.memref_slice %arg5[%dma_wait3A_430] : memref<6400xi32, #tpu.memory_space<vmem>> -> memref<200xi32, #tpu.memory_space<vmem>>
    %dma_wait3A_432 = arith.constant 0 : i32
    %dma_wait3A_433 = tpu.memref_slice %arg2[%dma_wait3A_429, %dma_wait3A_432] : memref<1024x200xi32, #tpu.memory_space<hbm>> -> memref<1x200xi32, #tpu.memory_space<hbm>>
    %dma_wait3A_434 = tpu.memref_squeeze %dma_wait3A_433 : memref<1x200xi32, #tpu.memory_space<hbm>> -> memref<200xi32, #tpu.memory_space<hbm>>
    %dma_wait3A_435 = arith.constant 800 : i32
    %dma_wait3A_436 = tpu.memref_slice %arg5[%dma_wait3A_435] : memref<6400xi32, #tpu.memory_space<vmem>> -> memref<200xi32, #tpu.memory_space<vmem>>
    %dma_wait3A_437 = arith.constant 0 : i32
    %dma_wait3A_438 = tpu.memref_slice %arg2[%dma_wait3A_429, %dma_wait3A_437] : memref<1024x200xi32, #tpu.memory_space<hbm>> -> memref<1x200xi32, #tpu.memory_space<hbm>>
    %dma_wait3A_439 = tpu.memref_squeeze %dma_wait3A_438 : memref<1x200xi32, #tpu.memory_space<hbm>> -> memref<200xi32, #tpu.memory_space<hbm>>
    tpu.wait_dma2 semaphore(%arg9 : memref<!tpu.dma_semaphore, #tpu.memory_space<semaphore_mem>>) src(%dma_wait3A_439 : memref<200xi32, #tpu.memory_space<hbm>>) dst(%dma_wait3A_436 : memref<200xi32, #tpu.memory_space<vmem>>)
    %dma_wait3A_440 = arith.constant 0 : i32
    %dma_wait3A_441 = arith.constant 1000 : i32
    %dma_wait3A_442 = tpu.memref_slice %arg5[%dma_wait3A_441] : memref<6400xi32, #tpu.memory_space<vmem>> -> memref<200xi32, #tpu.memory_space<vmem>>
    %dma_wait3A_443 = arith.constant 0 : i32
    %dma_wait3A_444 = tpu.memref_slice %arg2[%dma_wait3A_440, %dma_wait3A_443] : memref<1024x200xi32, #tpu.memory_space<hbm>> -> memref<1x200xi32, #tpu.memory_space<hbm>>
    %dma_wait3A_445 = tpu.memref_squeeze %dma_wait3A_444 : memref<1x200xi32, #tpu.memory_space<hbm>> -> memref<200xi32, #tpu.memory_space<hbm>>
    %dma_wait3A_446 = arith.constant 1000 : i32
    %dma_wait3A_447 = tpu.memref_slice %arg5[%dma_wait3A_446] : memref<6400xi32, #tpu.memory_space<vmem>> -> memref<200xi32, #tpu.memory_space<vmem>>
    %dma_wait3A_448 = arith.constant 0 : i32
    %dma_wait3A_449 = tpu.memref_slice %arg2[%dma_wait3A_440, %dma_wait3A_448] : memref<1024x200xi32, #tpu.memory_space<hbm>> -> memref<1x200xi32, #tpu.memory_space<hbm>>
    %dma_wait3A_450 = tpu.memref_squeeze %dma_wait3A_449 : memref<1x200xi32, #tpu.memory_space<hbm>> -> memref<200xi32, #tpu.memory_space<hbm>>
    tpu.wait_dma2 semaphore(%arg9 : memref<!tpu.dma_semaphore, #tpu.memory_space<semaphore_mem>>) src(%dma_wait3A_450 : memref<200xi32, #tpu.memory_space<hbm>>) dst(%dma_wait3A_447 : memref<200xi32, #tpu.memory_space<vmem>>)
    %dma_wait3A_451 = arith.constant 0 : i32
    %dma_wait3A_452 = arith.constant 1200 : i32
    %dma_wait3A_453 = tpu.memref_slice %arg5[%dma_wait3A_452] : memref<6400xi32, #tpu.memory_space<vmem>> -> memref<200xi32, #tpu.memory_space<vmem>>
    %dma_wait3A_454 = arith.constant 0 : i32
    %dma_wait3A_455 = tpu.memref_slice %arg2[%dma_wait3A_451, %dma_wait3A_454] : memref<1024x200xi32, #tpu.memory_space<hbm>> -> memref<1x200xi32, #tpu.memory_space<hbm>>
    %dma_wait3A_456 = tpu.memref_squeeze %dma_wait3A_455 : memref<1x200xi32, #tpu.memory_space<hbm>> -> memref<200xi32, #tpu.memory_space<hbm>>
    %dma_wait3A_457 = arith.constant 1200 : i32
    %dma_wait3A_458 = tpu.memref_slice %arg5[%dma_wait3A_457] : memref<6400xi32, #tpu.memory_space<vmem>> -> memref<200xi32, #tpu.memory_space<vmem>>
    %dma_wait3A_459 = arith.constant 0 : i32
    %dma_wait3A_460 = tpu.memref_slice %arg2[%dma_wait3A_451, %dma_wait3A_459] : memref<1024x200xi32, #tpu.memory_space<hbm>> -> memref<1x200xi32, #tpu.memory_space<hbm>>
    %dma_wait3A_461 = tpu.memref_squeeze %dma_wait3A_460 : memref<1x200xi32, #tpu.memory_space<hbm>> -> memref<200xi32, #tpu.memory_space<hbm>>
    tpu.wait_dma2 semaphore(%arg9 : memref<!tpu.dma_semaphore, #tpu.memory_space<semaphore_mem>>) src(%dma_wait3A_461 : memref<200xi32, #tpu.memory_space<hbm>>) dst(%dma_wait3A_458 : memref<200xi32, #tpu.memory_space<vmem>>)
    %dma_wait3A_462 = arith.constant 0 : i32
    %dma_wait3A_463 = arith.constant 1400 : i32
    %dma_wait3A_464 = tpu.memref_slice %arg5[%dma_wait3A_463] : memref<6400xi32, #tpu.memory_space<vmem>> -> memref<200xi32, #tpu.memory_space<vmem>>
    %dma_wait3A_465 = arith.constant 0 : i32
    %dma_wait3A_466 = tpu.memref_slice %arg2[%dma_wait3A_462, %dma_wait3A_465] : memref<1024x200xi32, #tpu.memory_space<hbm>> -> memref<1x200xi32, #tpu.memory_space<hbm>>
    %dma_wait3A_467 = tpu.memref_squeeze %dma_wait3A_466 : memref<1x200xi32, #tpu.memory_space<hbm>> -> memref<200xi32, #tpu.memory_space<hbm>>
    %dma_wait3A_468 = arith.constant 1400 : i32
    %dma_wait3A_469 = tpu.memref_slice %arg5[%dma_wait3A_468] : memref<6400xi32, #tpu.memory_space<vmem>> -> memref<200xi32, #tpu.memory_space<vmem>>
    %dma_wait3A_470 = arith.constant 0 : i32
    %dma_wait3A_471 = tpu.memref_slice %arg2[%dma_wait3A_462, %dma_wait3A_470] : memref<1024x200xi32, #tpu.memory_space<hbm>> -> memref<1x200xi32, #tpu.memory_space<hbm>>
    %dma_wait3A_472 = tpu.memref_squeeze %dma_wait3A_471 : memref<1x200xi32, #tpu.memory_space<hbm>> -> memref<200xi32, #tpu.memory_space<hbm>>
    tpu.wait_dma2 semaphore(%arg9 : memref<!tpu.dma_semaphore, #tpu.memory_space<semaphore_mem>>) src(%dma_wait3A_472 : memref<200xi32, #tpu.memory_space<hbm>>) dst(%dma_wait3A_469 : memref<200xi32, #tpu.memory_space<vmem>>)
    %dma_wait3A_473 = arith.constant 0 : i32
    %dma_wait3A_474 = arith.constant 1600 : i32
    %dma_wait3A_475 = tpu.memref_slice %arg5[%dma_wait3A_474] : memref<6400xi32, #tpu.memory_space<vmem>> -> memref<200xi32, #tpu.memory_space<vmem>>
    %dma_wait3A_476 = arith.constant 0 : i32
    %dma_wait3A_477 = tpu.memref_slice %arg2[%dma_wait3A_473, %dma_wait3A_476] : memref<1024x200xi32, #tpu.memory_space<hbm>> -> memref<1x200xi32, #tpu.memory_space<hbm>>
    %dma_wait3A_478 = tpu.memref_squeeze %dma_wait3A_477 : memref<1x200xi32, #tpu.memory_space<hbm>> -> memref<200xi32, #tpu.memory_space<hbm>>
    %dma_wait3A_479 = arith.constant 1600 : i32
    %dma_wait3A_480 = tpu.memref_slice %arg5[%dma_wait3A_479] : memref<6400xi32, #tpu.memory_space<vmem>> -> memref<200xi32, #tpu.memory_space<vmem>>
    %dma_wait3A_481 = arith.constant 0 : i32
    %dma_wait3A_482 = tpu.memref_slice %arg2[%dma_wait3A_473, %dma_wait3A_481] : memref<1024x200xi32, #tpu.memory_space<hbm>> -> memref<1x200xi32, #tpu.memory_space<hbm>>
    %dma_wait3A_483 = tpu.memref_squeeze %dma_wait3A_482 : memref<1x200xi32, #tpu.memory_space<hbm>> -> memref<200xi32, #tpu.memory_space<hbm>>
    tpu.wait_dma2 semaphore(%arg9 : memref<!tpu.dma_semaphore, #tpu.memory_space<semaphore_mem>>) src(%dma_wait3A_483 : memref<200xi32, #tpu.memory_space<hbm>>) dst(%dma_wait3A_480 : memref<200xi32, #tpu.memory_space<vmem>>)
    %dma_wait3A_484 = arith.constant 0 : i32
    %dma_wait3A_485 = arith.constant 1800 : i32
    %dma_wait3A_486 = tpu.memref_slice %arg5[%dma_wait3A_485] : memref<6400xi32, #tpu.memory_space<vmem>> -> memref<200xi32, #tpu.memory_space<vmem>>
    %dma_wait3A_487 = arith.constant 0 : i32
    %dma_wait3A_488 = tpu.memref_slice %arg2[%dma_wait3A_484, %dma_wait3A_487] : memref<1024x200xi32, #tpu.memory_space<hbm>> -> memref<1x200xi32, #tpu.memory_space<hbm>>
    %dma_wait3A_489 = tpu.memref_squeeze %dma_wait3A_488 : memref<1x200xi32, #tpu.memory_space<hbm>> -> memref<200xi32, #tpu.memory_space<hbm>>
    %dma_wait3A_490 = arith.constant 1800 : i32
    %dma_wait3A_491 = tpu.memref_slice %arg5[%dma_wait3A_490] : memref<6400xi32, #tpu.memory_space<vmem>> -> memref<200xi32, #tpu.memory_space<vmem>>
    %dma_wait3A_492 = arith.constant 0 : i32
    %dma_wait3A_493 = tpu.memref_slice %arg2[%dma_wait3A_484, %dma_wait3A_492] : memref<1024x200xi32, #tpu.memory_space<hbm>> -> memref<1x200xi32, #tpu.memory_space<hbm>>
    %dma_wait3A_494 = tpu.memref_squeeze %dma_wait3A_493 : memref<1x200xi32, #tpu.memory_space<hbm>> -> memref<200xi32, #tpu.memory_space<hbm>>
    tpu.wait_dma2 semaphore(%arg9 : memref<!tpu.dma_semaphore, #tpu.memory_space<semaphore_mem>>) src(%dma_wait3A_494 : memref<200xi32, #tpu.memory_space<hbm>>) dst(%dma_wait3A_491 : memref<200xi32, #tpu.memory_space<vmem>>)
    %dma_wait3A_495 = arith.constant 0 : i32
    %dma_wait3A_496 = arith.constant 2000 : i32
    %dma_wait3A_497 = tpu.memref_slice %arg5[%dma_wait3A_496] : memref<6400xi32, #tpu.memory_space<vmem>> -> memref<200xi32, #tpu.memory_space<vmem>>
    %dma_wait3A_498 = arith.constant 0 : i32
    %dma_wait3A_499 = tpu.memref_slice %arg2[%dma_wait3A_495, %dma_wait3A_498] : memref<1024x200xi32, #tpu.memory_space<hbm>> -> memref<1x200xi32, #tpu.memory_space<hbm>>
    %dma_wait3A_500 = tpu.memref_squeeze %dma_wait3A_499 : memref<1x200xi32, #tpu.memory_space<hbm>> -> memref<200xi32, #tpu.memory_space<hbm>>
    %dma_wait3A_501 = arith.constant 2000 : i32
    %dma_wait3A_502 = tpu.memref_slice %arg5[%dma_wait3A_501] : memref<6400xi32, #tpu.memory_space<vmem>> -> memref<200xi32, #tpu.memory_space<vmem>>
    %dma_wait3A_503 = arith.constant 0 : i32
    %dma_wait3A_504 = tpu.memref_slice %arg2[%dma_wait3A_495, %dma_wait3A_503] : memref<1024x200xi32, #tpu.memory_space<hbm>> -> memref<1x200xi32, #tpu.memory_space<hbm>>
    %dma_wait3A_505 = tpu.memref_squeeze %dma_wait3A_504 : memref<1x200xi32, #tpu.memory_space<hbm>> -> memref<200xi32, #tpu.memory_space<hbm>>
    tpu.wait_dma2 semaphore(%arg9 : memref<!tpu.dma_semaphore, #tpu.memory_space<semaphore_mem>>) src(%dma_wait3A_505 : memref<200xi32, #tpu.memory_space<hbm>>) dst(%dma_wait3A_502 : memref<200xi32, #tpu.memory_space<vmem>>)
    %dma_wait3A_506 = arith.constant 0 : i32
    %dma_wait3A_507 = arith.constant 2200 : i32
    %dma_wait3A_508 = tpu.memref_slice %arg5[%dma_wait3A_507] : memref<6400xi32, #tpu.memory_space<vmem>> -> memref<200xi32, #tpu.memory_space<vmem>>
    %dma_wait3A_509 = arith.constant 0 : i32
    %dma_wait3A_510 = tpu.memref_slice %arg2[%dma_wait3A_506, %dma_wait3A_509] : memref<1024x200xi32, #tpu.memory_space<hbm>> -> memref<1x200xi32, #tpu.memory_space<hbm>>
    %dma_wait3A_511 = tpu.memref_squeeze %dma_wait3A_510 : memref<1x200xi32, #tpu.memory_space<hbm>> -> memref<200xi32, #tpu.memory_space<hbm>>
    %dma_wait3A_512 = arith.constant 2200 : i32
    %dma_wait3A_513 = tpu.memref_slice %arg5[%dma_wait3A_512] : memref<6400xi32, #tpu.memory_space<vmem>> -> memref<200xi32, #tpu.memory_space<vmem>>
    %dma_wait3A_514 = arith.constant 0 : i32
    %dma_wait3A_515 = tpu.memref_slice %arg2[%dma_wait3A_506, %dma_wait3A_514] : memref<1024x200xi32, #tpu.memory_space<hbm>> -> memref<1x200xi32, #tpu.memory_space<hbm>>
    %dma_wait3A_516 = tpu.memref_squeeze %dma_wait3A_515 : memref<1x200xi32, #tpu.memory_space<hbm>> -> memref<200xi32, #tpu.memory_space<hbm>>
    tpu.wait_dma2 semaphore(%arg9 : memref<!tpu.dma_semaphore, #tpu.memory_space<semaphore_mem>>) src(%dma_wait3A_516 : memref<200xi32, #tpu.memory_space<hbm>>) dst(%dma_wait3A_513 : memref<200xi32, #tpu.memory_space<vmem>>)
    %dma_wait3A_517 = arith.constant 0 : i32
    %dma_wait3A_518 = arith.constant 2400 : i32
    %dma_wait3A_519 = tpu.memref_slice %arg5[%dma_wait3A_518] : memref<6400xi32, #tpu.memory_space<vmem>> -> memref<200xi32, #tpu.memory_space<vmem>>
    %dma_wait3A_520 = arith.constant 0 : i32
    %dma_wait3A_521 = tpu.memref_slice %arg2[%dma_wait3A_517, %dma_wait3A_520] : memref<1024x200xi32, #tpu.memory_space<hbm>> -> memref<1x200xi32, #tpu.memory_space<hbm>>
    %dma_wait3A_522 = tpu.memref_squeeze %dma_wait3A_521 : memref<1x200xi32, #tpu.memory_space<hbm>> -> memref<200xi32, #tpu.memory_space<hbm>>
    %dma_wait3A_523 = arith.constant 2400 : i32
    %dma_wait3A_524 = tpu.memref_slice %arg5[%dma_wait3A_523] : memref<6400xi32, #tpu.memory_space<vmem>> -> memref<200xi32, #tpu.memory_space<vmem>>
    %dma_wait3A_525 = arith.constant 0 : i32
    %dma_wait3A_526 = tpu.memref_slice %arg2[%dma_wait3A_517, %dma_wait3A_525] : memref<1024x200xi32, #tpu.memory_space<hbm>> -> memref<1x200xi32, #tpu.memory_space<hbm>>
    %dma_wait3A_527 = tpu.memref_squeeze %dma_wait3A_526 : memref<1x200xi32, #tpu.memory_space<hbm>> -> memref<200xi32, #tpu.memory_space<hbm>>
    tpu.wait_dma2 semaphore(%arg9 : memref<!tpu.dma_semaphore, #tpu.memory_space<semaphore_mem>>) src(%dma_wait3A_527 : memref<200xi32, #tpu.memory_space<hbm>>) dst(%dma_wait3A_524 : memref<200xi32, #tpu.memory_space<vmem>>)
    %dma_wait3A_528 = arith.constant 0 : i32
    %dma_wait3A_529 = arith.constant 2600 : i32
    %dma_wait3A_530 = tpu.memref_slice %arg5[%dma_wait3A_529] : memref<6400xi32, #tpu.memory_space<vmem>> -> memref<200xi32, #tpu.memory_space<vmem>>
    %dma_wait3A_531 = arith.constant 0 : i32
    %dma_wait3A_532 = tpu.memref_slice %arg2[%dma_wait3A_528, %dma_wait3A_531] : memref<1024x200xi32, #tpu.memory_space<hbm>> -> memref<1x200xi32, #tpu.memory_space<hbm>>
    %dma_wait3A_533 = tpu.memref_squeeze %dma_wait3A_532 : memref<1x200xi32, #tpu.memory_space<hbm>> -> memref<200xi32, #tpu.memory_space<hbm>>
    %dma_wait3A_534 = arith.constant 2600 : i32
    %dma_wait3A_535 = tpu.memref_slice %arg5[%dma_wait3A_534] : memref<6400xi32, #tpu.memory_space<vmem>> -> memref<200xi32, #tpu.memory_space<vmem>>
    %dma_wait3A_536 = arith.constant 0 : i32
    %dma_wait3A_537 = tpu.memref_slice %arg2[%dma_wait3A_528, %dma_wait3A_536] : memref<1024x200xi32, #tpu.memory_space<hbm>> -> memref<1x200xi32, #tpu.memory_space<hbm>>
    %dma_wait3A_538 = tpu.memref_squeeze %dma_wait3A_537 : memref<1x200xi32, #tpu.memory_space<hbm>> -> memref<200xi32, #tpu.memory_space<hbm>>
    tpu.wait_dma2 semaphore(%arg9 : memref<!tpu.dma_semaphore, #tpu.memory_space<semaphore_mem>>) src(%dma_wait3A_538 : memref<200xi32, #tpu.memory_space<hbm>>) dst(%dma_wait3A_535 : memref<200xi32, #tpu.memory_space<vmem>>)
    %dma_wait3A_539 = arith.constant 0 : i32
    %dma_wait3A_540 = arith.constant 2800 : i32
    %dma_wait3A_541 = tpu.memref_slice %arg5[%dma_wait3A_540] : memref<6400xi32, #tpu.memory_space<vmem>> -> memref<200xi32, #tpu.memory_space<vmem>>
    %dma_wait3A_542 = arith.constant 0 : i32
    %dma_wait3A_543 = tpu.memref_slice %arg2[%dma_wait3A_539, %dma_wait3A_542] : memref<1024x200xi32, #tpu.memory_space<hbm>> -> memref<1x200xi32, #tpu.memory_space<hbm>>
    %dma_wait3A_544 = tpu.memref_squeeze %dma_wait3A_543 : memref<1x200xi32, #tpu.memory_space<hbm>> -> memref<200xi32, #tpu.memory_space<hbm>>
    %dma_wait3A_545 = arith.constant 2800 : i32
    %dma_wait3A_546 = tpu.memref_slice %arg5[%dma_wait3A_545] : memref<6400xi32, #tpu.memory_space<vmem>> -> memref<200xi32, #tpu.memory_space<vmem>>
    %dma_wait3A_547 = arith.constant 0 : i32
    %dma_wait3A_548 = tpu.memref_slice %arg2[%dma_wait3A_539, %dma_wait3A_547] : memref<1024x200xi32, #tpu.memory_space<hbm>> -> memref<1x200xi32, #tpu.memory_space<hbm>>
    %dma_wait3A_549 = tpu.memref_squeeze %dma_wait3A_548 : memref<1x200xi32, #tpu.memory_space<hbm>> -> memref<200xi32, #tpu.memory_space<hbm>>
    tpu.wait_dma2 semaphore(%arg9 : memref<!tpu.dma_semaphore, #tpu.memory_space<semaphore_mem>>) src(%dma_wait3A_549 : memref<200xi32, #tpu.memory_space<hbm>>) dst(%dma_wait3A_546 : memref<200xi32, #tpu.memory_space<vmem>>)
    %dma_wait3A_550 = arith.constant 0 : i32
    %dma_wait3A_551 = arith.constant 3000 : i32
    %dma_wait3A_552 = tpu.memref_slice %arg5[%dma_wait3A_551] : memref<6400xi32, #tpu.memory_space<vmem>> -> memref<200xi32, #tpu.memory_space<vmem>>
    %dma_wait3A_553 = arith.constant 0 : i32
    %dma_wait3A_554 = tpu.memref_slice %arg2[%dma_wait3A_550, %dma_wait3A_553] : memref<1024x200xi32, #tpu.memory_space<hbm>> -> memref<1x200xi32, #tpu.memory_space<hbm>>
    %dma_wait3A_555 = tpu.memref_squeeze %dma_wait3A_554 : memref<1x200xi32, #tpu.memory_space<hbm>> -> memref<200xi32, #tpu.memory_space<hbm>>
    %dma_wait3A_556 = arith.constant 3000 : i32
    %dma_wait3A_557 = tpu.memref_slice %arg5[%dma_wait3A_556] : memref<6400xi32, #tpu.memory_space<vmem>> -> memref<200xi32, #tpu.memory_space<vmem>>
    %dma_wait3A_558 = arith.constant 0 : i32
    %dma_wait3A_559 = tpu.memref_slice %arg2[%dma_wait3A_550, %dma_wait3A_558] : memref<1024x200xi32, #tpu.memory_space<hbm>> -> memref<1x200xi32, #tpu.memory_space<hbm>>
    %dma_wait3A_560 = tpu.memref_squeeze %dma_wait3A_559 : memref<1x200xi32, #tpu.memory_space<hbm>> -> memref<200xi32, #tpu.memory_space<hbm>>
    tpu.wait_dma2 semaphore(%arg9 : memref<!tpu.dma_semaphore, #tpu.memory_space<semaphore_mem>>) src(%dma_wait3A_560 : memref<200xi32, #tpu.memory_space<hbm>>) dst(%dma_wait3A_557 : memref<200xi32, #tpu.memory_space<vmem>>)
    %dma_wait3A_561 = arith.constant 0 : i32
    %dma_wait3A_562 = arith.constant 3200 : i32
    %dma_wait3A_563 = tpu.memref_slice %arg5[%dma_wait3A_562] : memref<6400xi32, #tpu.memory_space<vmem>> -> memref<200xi32, #tpu.memory_space<vmem>>
    %dma_wait3A_564 = arith.constant 0 : i32
    %dma_wait3A_565 = tpu.memref_slice %arg2[%dma_wait3A_561, %dma_wait3A_564] : memref<1024x200xi32, #tpu.memory_space<hbm>> -> memref<1x200xi32, #tpu.memory_space<hbm>>
    %dma_wait3A_566 = tpu.memref_squeeze %dma_wait3A_565 : memref<1x200xi32, #tpu.memory_space<hbm>> -> memref<200xi32, #tpu.memory_space<hbm>>
    %dma_wait3A_567 = arith.constant 3200 : i32
    %dma_wait3A_568 = tpu.memref_slice %arg5[%dma_wait3A_567] : memref<6400xi32, #tpu.memory_space<vmem>> -> memref<200xi32, #tpu.memory_space<vmem>>
    %dma_wait3A_569 = arith.constant 0 : i32
    %dma_wait3A_570 = tpu.memref_slice %arg2[%dma_wait3A_561, %dma_wait3A_569] : memref<1024x200xi32, #tpu.memory_space<hbm>> -> memref<1x200xi32, #tpu.memory_space<hbm>>
    %dma_wait3A_571 = tpu.memref_squeeze %dma_wait3A_570 : memref<1x200xi32, #tpu.memory_space<hbm>> -> memref<200xi32, #tpu.memory_space<hbm>>
    tpu.wait_dma2 semaphore(%arg9 : memref<!tpu.dma_semaphore, #tpu.memory_space<semaphore_mem>>) src(%dma_wait3A_571 : memref<200xi32, #tpu.memory_space<hbm>>) dst(%dma_wait3A_568 : memref<200xi32, #tpu.memory_space<vmem>>)
    %dma_wait3A_572 = arith.constant 0 : i32
    %dma_wait3A_573 = arith.constant 3400 : i32
    %dma_wait3A_574 = tpu.memref_slice %arg5[%dma_wait3A_573] : memref<6400xi32, #tpu.memory_space<vmem>> -> memref<200xi32, #tpu.memory_space<vmem>>
    %dma_wait3A_575 = arith.constant 0 : i32
    %dma_wait3A_576 = tpu.memref_slice %arg2[%dma_wait3A_572, %dma_wait3A_575] : memref<1024x200xi32, #tpu.memory_space<hbm>> -> memref<1x200xi32, #tpu.memory_space<hbm>>
    %dma_wait3A_577 = tpu.memref_squeeze %dma_wait3A_576 : memref<1x200xi32, #tpu.memory_space<hbm>> -> memref<200xi32, #tpu.memory_space<hbm>>
    %dma_wait3A_578 = arith.constant 3400 : i32
    %dma_wait3A_579 = tpu.memref_slice %arg5[%dma_wait3A_578] : memref<6400xi32, #tpu.memory_space<vmem>> -> memref<200xi32, #tpu.memory_space<vmem>>
    %dma_wait3A_580 = arith.constant 0 : i32
    %dma_wait3A_581 = tpu.memref_slice %arg2[%dma_wait3A_572, %dma_wait3A_580] : memref<1024x200xi32, #tpu.memory_space<hbm>> -> memref<1x200xi32, #tpu.memory_space<hbm>>
    %dma_wait3A_582 = tpu.memref_squeeze %dma_wait3A_581 : memref<1x200xi32, #tpu.memory_space<hbm>> -> memref<200xi32, #tpu.memory_space<hbm>>
    tpu.wait_dma2 semaphore(%arg9 : memref<!tpu.dma_semaphore, #tpu.memory_space<semaphore_mem>>) src(%dma_wait3A_582 : memref<200xi32, #tpu.memory_space<hbm>>) dst(%dma_wait3A_579 : memref<200xi32, #tpu.memory_space<vmem>>)
    %dma_wait3A_583 = arith.constant 0 : i32
    %dma_wait3A_584 = arith.constant 3600 : i32
    %dma_wait3A_585 = tpu.memref_slice %arg5[%dma_wait3A_584] : memref<6400xi32, #tpu.memory_space<vmem>> -> memref<200xi32, #tpu.memory_space<vmem>>
    %dma_wait3A_586 = arith.constant 0 : i32
    %dma_wait3A_587 = tpu.memref_slice %arg2[%dma_wait3A_583, %dma_wait3A_586] : memref<1024x200xi32, #tpu.memory_space<hbm>> -> memref<1x200xi32, #tpu.memory_space<hbm>>
    %dma_wait3A_588 = tpu.memref_squeeze %dma_wait3A_587 : memref<1x200xi32, #tpu.memory_space<hbm>> -> memref<200xi32, #tpu.memory_space<hbm>>
    %dma_wait3A_589 = arith.constant 3600 : i32
    %dma_wait3A_590 = tpu.memref_slice %arg5[%dma_wait3A_589] : memref<6400xi32, #tpu.memory_space<vmem>> -> memref<200xi32, #tpu.memory_space<vmem>>
    %dma_wait3A_591 = arith.constant 0 : i32
    %dma_wait3A_592 = tpu.memref_slice %arg2[%dma_wait3A_583, %dma_wait3A_591] : memref<1024x200xi32, #tpu.memory_space<hbm>> -> memref<1x200xi32, #tpu.memory_space<hbm>>
    %dma_wait3A_593 = tpu.memref_squeeze %dma_wait3A_592 : memref<1x200xi32, #tpu.memory_space<hbm>> -> memref<200xi32, #tpu.memory_space<hbm>>
    tpu.wait_dma2 semaphore(%arg9 : memref<!tpu.dma_semaphore, #tpu.memory_space<semaphore_mem>>) src(%dma_wait3A_593 : memref<200xi32, #tpu.memory_space<hbm>>) dst(%dma_wait3A_590 : memref<200xi32, #tpu.memory_space<vmem>>)
    %dma_wait3A_594 = arith.constant 0 : i32
    %dma_wait3A_595 = arith.constant 3800 : i32
    %dma_wait3A_596 = tpu.memref_slice %arg5[%dma_wait3A_595] : memref<6400xi32, #tpu.memory_space<vmem>> -> memref<200xi32, #tpu.memory_space<vmem>>
    %dma_wait3A_597 = arith.constant 0 : i32
    %dma_wait3A_598 = tpu.memref_slice %arg2[%dma_wait3A_594, %dma_wait3A_597] : memref<1024x200xi32, #tpu.memory_space<hbm>> -> memref<1x200xi32, #tpu.memory_space<hbm>>
    %dma_wait3A_599 = tpu.memref_squeeze %dma_wait3A_598 : memref<1x200xi32, #tpu.memory_space<hbm>> -> memref<200xi32, #tpu.memory_space<hbm>>
    %dma_wait3A_600 = arith.constant 3800 : i32
    %dma_wait3A_601 = tpu.memref_slice %arg5[%dma_wait3A_600] : memref<6400xi32, #tpu.memory_space<vmem>> -> memref<200xi32, #tpu.memory_space<vmem>>
    %dma_wait3A_602 = arith.constant 0 : i32
    %dma_wait3A_603 = tpu.memref_slice %arg2[%dma_wait3A_594, %dma_wait3A_602] : memref<1024x200xi32, #tpu.memory_space<hbm>> -> memref<1x200xi32, #tpu.memory_space<hbm>>
    %dma_wait3A_604 = tpu.memref_squeeze %dma_wait3A_603 : memref<1x200xi32, #tpu.memory_space<hbm>> -> memref<200xi32, #tpu.memory_space<hbm>>
    tpu.wait_dma2 semaphore(%arg9 : memref<!tpu.dma_semaphore, #tpu.memory_space<semaphore_mem>>) src(%dma_wait3A_604 : memref<200xi32, #tpu.memory_space<hbm>>) dst(%dma_wait3A_601 : memref<200xi32, #tpu.memory_space<vmem>>)
    %dma_wait3A_605 = arith.constant 0 : i32
    %dma_wait3A_606 = arith.constant 4000 : i32
    %dma_wait3A_607 = tpu.memref_slice %arg5[%dma_wait3A_606] : memref<6400xi32, #tpu.memory_space<vmem>> -> memref<200xi32, #tpu.memory_space<vmem>>
    %dma_wait3A_608 = arith.constant 0 : i32
    %dma_wait3A_609 = tpu.memref_slice %arg2[%dma_wait3A_605, %dma_wait3A_608] : memref<1024x200xi32, #tpu.memory_space<hbm>> -> memref<1x200xi32, #tpu.memory_space<hbm>>
    %dma_wait3A_610 = tpu.memref_squeeze %dma_wait3A_609 : memref<1x200xi32, #tpu.memory_space<hbm>> -> memref<200xi32, #tpu.memory_space<hbm>>
    %dma_wait3A_611 = arith.constant 4000 : i32
    %dma_wait3A_612 = tpu.memref_slice %arg5[%dma_wait3A_611] : memref<6400xi32, #tpu.memory_space<vmem>> -> memref<200xi32, #tpu.memory_space<vmem>>
    %dma_wait3A_613 = arith.constant 0 : i32
    %dma_wait3A_614 = tpu.memref_slice %arg2[%dma_wait3A_605, %dma_wait3A_613] : memref<1024x200xi32, #tpu.memory_space<hbm>> -> memref<1x200xi32, #tpu.memory_space<hbm>>
    %dma_wait3A_615 = tpu.memref_squeeze %dma_wait3A_614 : memref<1x200xi32, #tpu.memory_space<hbm>> -> memref<200xi32, #tpu.memory_space<hbm>>
    tpu.wait_dma2 semaphore(%arg9 : memref<!tpu.dma_semaphore, #tpu.memory_space<semaphore_mem>>) src(%dma_wait3A_615 : memref<200xi32, #tpu.memory_space<hbm>>) dst(%dma_wait3A_612 : memref<200xi32, #tpu.memory_space<vmem>>)
    %dma_wait3A_616 = arith.constant 0 : i32
    %dma_wait3A_617 = arith.constant 4200 : i32
    %dma_wait3A_618 = tpu.memref_slice %arg5[%dma_wait3A_617] : memref<6400xi32, #tpu.memory_space<vmem>> -> memref<200xi32, #tpu.memory_space<vmem>>
    %dma_wait3A_619 = arith.constant 0 : i32
    %dma_wait3A_620 = tpu.memref_slice %arg2[%dma_wait3A_616, %dma_wait3A_619] : memref<1024x200xi32, #tpu.memory_space<hbm>> -> memref<1x200xi32, #tpu.memory_space<hbm>>
    %dma_wait3A_621 = tpu.memref_squeeze %dma_wait3A_620 : memref<1x200xi32, #tpu.memory_space<hbm>> -> memref<200xi32, #tpu.memory_space<hbm>>
    %dma_wait3A_622 = arith.constant 4200 : i32
    %dma_wait3A_623 = tpu.memref_slice %arg5[%dma_wait3A_622] : memref<6400xi32, #tpu.memory_space<vmem>> -> memref<200xi32, #tpu.memory_space<vmem>>
    %dma_wait3A_624 = arith.constant 0 : i32
    %dma_wait3A_625 = tpu.memref_slice %arg2[%dma_wait3A_616, %dma_wait3A_624] : memref<1024x200xi32, #tpu.memory_space<hbm>> -> memref<1x200xi32, #tpu.memory_space<hbm>>
    %dma_wait3A_626 = tpu.memref_squeeze %dma_wait3A_625 : memref<1x200xi32, #tpu.memory_space<hbm>> -> memref<200xi32, #tpu.memory_space<hbm>>
    tpu.wait_dma2 semaphore(%arg9 : memref<!tpu.dma_semaphore, #tpu.memory_space<semaphore_mem>>) src(%dma_wait3A_626 : memref<200xi32, #tpu.memory_space<hbm>>) dst(%dma_wait3A_623 : memref<200xi32, #tpu.memory_space<vmem>>)
    %dma_wait3A_627 = arith.constant 0 : i32
    %dma_wait3A_628 = arith.constant 4400 : i32
    %dma_wait3A_629 = tpu.memref_slice %arg5[%dma_wait3A_628] : memref<6400xi32, #tpu.memory_space<vmem>> -> memref<200xi32, #tpu.memory_space<vmem>>
    %dma_wait3A_630 = arith.constant 0 : i32
    %dma_wait3A_631 = tpu.memref_slice %arg2[%dma_wait3A_627, %dma_wait3A_630] : memref<1024x200xi32, #tpu.memory_space<hbm>> -> memref<1x200xi32, #tpu.memory_space<hbm>>
    %dma_wait3A_632 = tpu.memref_squeeze %dma_wait3A_631 : memref<1x200xi32, #tpu.memory_space<hbm>> -> memref<200xi32, #tpu.memory_space<hbm>>
    %dma_wait3A_633 = arith.constant 4400 : i32
    %dma_wait3A_634 = tpu.memref_slice %arg5[%dma_wait3A_633] : memref<6400xi32, #tpu.memory_space<vmem>> -> memref<200xi32, #tpu.memory_space<vmem>>
    %dma_wait3A_635 = arith.constant 0 : i32
    %dma_wait3A_636 = tpu.memref_slice %arg2[%dma_wait3A_627, %dma_wait3A_635] : memref<1024x200xi32, #tpu.memory_space<hbm>> -> memref<1x200xi32, #tpu.memory_space<hbm>>
    %dma_wait3A_637 = tpu.memref_squeeze %dma_wait3A_636 : memref<1x200xi32, #tpu.memory_space<hbm>> -> memref<200xi32, #tpu.memory_space<hbm>>
    tpu.wait_dma2 semaphore(%arg9 : memref<!tpu.dma_semaphore, #tpu.memory_space<semaphore_mem>>) src(%dma_wait3A_637 : memref<200xi32, #tpu.memory_space<hbm>>) dst(%dma_wait3A_634 : memref<200xi32, #tpu.memory_space<vmem>>)
    %dma_wait3A_638 = arith.constant 0 : i32
    %dma_wait3A_639 = arith.constant 4600 : i32
    %dma_wait3A_640 = tpu.memref_slice %arg5[%dma_wait3A_639] : memref<6400xi32, #tpu.memory_space<vmem>> -> memref<200xi32, #tpu.memory_space<vmem>>
    %dma_wait3A_641 = arith.constant 0 : i32
    %dma_wait3A_642 = tpu.memref_slice %arg2[%dma_wait3A_638, %dma_wait3A_641] : memref<1024x200xi32, #tpu.memory_space<hbm>> -> memref<1x200xi32, #tpu.memory_space<hbm>>
    %dma_wait3A_643 = tpu.memref_squeeze %dma_wait3A_642 : memref<1x200xi32, #tpu.memory_space<hbm>> -> memref<200xi32, #tpu.memory_space<hbm>>
    %dma_wait3A_644 = arith.constant 4600 : i32
    %dma_wait3A_645 = tpu.memref_slice %arg5[%dma_wait3A_644] : memref<6400xi32, #tpu.memory_space<vmem>> -> memref<200xi32, #tpu.memory_space<vmem>>
    %dma_wait3A_646 = arith.constant 0 : i32
    %dma_wait3A_647 = tpu.memref_slice %arg2[%dma_wait3A_638, %dma_wait3A_646] : memref<1024x200xi32, #tpu.memory_space<hbm>> -> memref<1x200xi32, #tpu.memory_space<hbm>>
    %dma_wait3A_648 = tpu.memref_squeeze %dma_wait3A_647 : memref<1x200xi32, #tpu.memory_space<hbm>> -> memref<200xi32, #tpu.memory_space<hbm>>
    tpu.wait_dma2 semaphore(%arg9 : memref<!tpu.dma_semaphore, #tpu.memory_space<semaphore_mem>>) src(%dma_wait3A_648 : memref<200xi32, #tpu.memory_space<hbm>>) dst(%dma_wait3A_645 : memref<200xi32, #tpu.memory_space<vmem>>)
    %dma_wait3A_649 = arith.constant 0 : i32
    %dma_wait3A_650 = arith.constant 4800 : i32
    %dma_wait3A_651 = tpu.memref_slice %arg5[%dma_wait3A_650] : memref<6400xi32, #tpu.memory_space<vmem>> -> memref<200xi32, #tpu.memory_space<vmem>>
    %dma_wait3A_652 = arith.constant 0 : i32
    %dma_wait3A_653 = tpu.memref_slice %arg2[%dma_wait3A_649, %dma_wait3A_652] : memref<1024x200xi32, #tpu.memory_space<hbm>> -> memref<1x200xi32, #tpu.memory_space<hbm>>
    %dma_wait3A_654 = tpu.memref_squeeze %dma_wait3A_653 : memref<1x200xi32, #tpu.memory_space<hbm>> -> memref<200xi32, #tpu.memory_space<hbm>>
    %dma_wait3A_655 = arith.constant 4800 : i32
    %dma_wait3A_656 = tpu.memref_slice %arg5[%dma_wait3A_655] : memref<6400xi32, #tpu.memory_space<vmem>> -> memref<200xi32, #tpu.memory_space<vmem>>
    %dma_wait3A_657 = arith.constant 0 : i32
    %dma_wait3A_658 = tpu.memref_slice %arg2[%dma_wait3A_649, %dma_wait3A_657] : memref<1024x200xi32, #tpu.memory_space<hbm>> -> memref<1x200xi32, #tpu.memory_space<hbm>>
    %dma_wait3A_659 = tpu.memref_squeeze %dma_wait3A_658 : memref<1x200xi32, #tpu.memory_space<hbm>> -> memref<200xi32, #tpu.memory_space<hbm>>
    tpu.wait_dma2 semaphore(%arg9 : memref<!tpu.dma_semaphore, #tpu.memory_space<semaphore_mem>>) src(%dma_wait3A_659 : memref<200xi32, #tpu.memory_space<hbm>>) dst(%dma_wait3A_656 : memref<200xi32, #tpu.memory_space<vmem>>)
    %dma_wait3A_660 = arith.constant 0 : i32
    %dma_wait3A_661 = arith.constant 5000 : i32
    %dma_wait3A_662 = tpu.memref_slice %arg5[%dma_wait3A_661] : memref<6400xi32, #tpu.memory_space<vmem>> -> memref<200xi32, #tpu.memory_space<vmem>>
    %dma_wait3A_663 = arith.constant 0 : i32
    %dma_wait3A_664 = tpu.memref_slice %arg2[%dma_wait3A_660, %dma_wait3A_663] : memref<1024x200xi32, #tpu.memory_space<hbm>> -> memref<1x200xi32, #tpu.memory_space<hbm>>
    %dma_wait3A_665 = tpu.memref_squeeze %dma_wait3A_664 : memref<1x200xi32, #tpu.memory_space<hbm>> -> memref<200xi32, #tpu.memory_space<hbm>>
    %dma_wait3A_666 = arith.constant 5000 : i32
    %dma_wait3A_667 = tpu.memref_slice %arg5[%dma_wait3A_666] : memref<6400xi32, #tpu.memory_space<vmem>> -> memref<200xi32, #tpu.memory_space<vmem>>
    %dma_wait3A_668 = arith.constant 0 : i32
    %dma_wait3A_669 = tpu.memref_slice %arg2[%dma_wait3A_660, %dma_wait3A_668] : memref<1024x200xi32, #tpu.memory_space<hbm>> -> memref<1x200xi32, #tpu.memory_space<hbm>>
    %dma_wait3A_670 = tpu.memref_squeeze %dma_wait3A_669 : memref<1x200xi32, #tpu.memory_space<hbm>> -> memref<200xi32, #tpu.memory_space<hbm>>
    tpu.wait_dma2 semaphore(%arg9 : memref<!tpu.dma_semaphore, #tpu.memory_space<semaphore_mem>>) src(%dma_wait3A_670 : memref<200xi32, #tpu.memory_space<hbm>>) dst(%dma_wait3A_667 : memref<200xi32, #tpu.memory_space<vmem>>)
    %dma_wait3A_671 = arith.constant 0 : i32
    %dma_wait3A_672 = arith.constant 5200 : i32
    %dma_wait3A_673 = tpu.memref_slice %arg5[%dma_wait3A_672] : memref<6400xi32, #tpu.memory_space<vmem>> -> memref<200xi32, #tpu.memory_space<vmem>>
    %dma_wait3A_674 = arith.constant 0 : i32
    %dma_wait3A_675 = tpu.memref_slice %arg2[%dma_wait3A_671, %dma_wait3A_674] : memref<1024x200xi32, #tpu.memory_space<hbm>> -> memref<1x200xi32, #tpu.memory_space<hbm>>
    %dma_wait3A_676 = tpu.memref_squeeze %dma_wait3A_675 : memref<1x200xi32, #tpu.memory_space<hbm>> -> memref<200xi32, #tpu.memory_space<hbm>>
    %dma_wait3A_677 = arith.constant 5200 : i32
    %dma_wait3A_678 = tpu.memref_slice %arg5[%dma_wait3A_677] : memref<6400xi32, #tpu.memory_space<vmem>> -> memref<200xi32, #tpu.memory_space<vmem>>
    %dma_wait3A_679 = arith.constant 0 : i32
    %dma_wait3A_680 = tpu.memref_slice %arg2[%dma_wait3A_671, %dma_wait3A_679] : memref<1024x200xi32, #tpu.memory_space<hbm>> -> memref<1x200xi32, #tpu.memory_space<hbm>>
    %dma_wait3A_681 = tpu.memref_squeeze %dma_wait3A_680 : memref<1x200xi32, #tpu.memory_space<hbm>> -> memref<200xi32, #tpu.memory_space<hbm>>
    tpu.wait_dma2 semaphore(%arg9 : memref<!tpu.dma_semaphore, #tpu.memory_space<semaphore_mem>>) src(%dma_wait3A_681 : memref<200xi32, #tpu.memory_space<hbm>>) dst(%dma_wait3A_678 : memref<200xi32, #tpu.memory_space<vmem>>)
    %dma_wait3A_682 = arith.constant 0 : i32
    %dma_wait3A_683 = arith.constant 5400 : i32
    %dma_wait3A_684 = tpu.memref_slice %arg5[%dma_wait3A_683] : memref<6400xi32, #tpu.memory_space<vmem>> -> memref<200xi32, #tpu.memory_space<vmem>>
    %dma_wait3A_685 = arith.constant 0 : i32
    %dma_wait3A_686 = tpu.memref_slice %arg2[%dma_wait3A_682, %dma_wait3A_685] : memref<1024x200xi32, #tpu.memory_space<hbm>> -> memref<1x200xi32, #tpu.memory_space<hbm>>
    %dma_wait3A_687 = tpu.memref_squeeze %dma_wait3A_686 : memref<1x200xi32, #tpu.memory_space<hbm>> -> memref<200xi32, #tpu.memory_space<hbm>>
    %dma_wait3A_688 = arith.constant 5400 : i32
    %dma_wait3A_689 = tpu.memref_slice %arg5[%dma_wait3A_688] : memref<6400xi32, #tpu.memory_space<vmem>> -> memref<200xi32, #tpu.memory_space<vmem>>
    %dma_wait3A_690 = arith.constant 0 : i32
    %dma_wait3A_691 = tpu.memref_slice %arg2[%dma_wait3A_682, %dma_wait3A_690] : memref<1024x200xi32, #tpu.memory_space<hbm>> -> memref<1x200xi32, #tpu.memory_space<hbm>>
    %dma_wait3A_692 = tpu.memref_squeeze %dma_wait3A_691 : memref<1x200xi32, #tpu.memory_space<hbm>> -> memref<200xi32, #tpu.memory_space<hbm>>
    tpu.wait_dma2 semaphore(%arg9 : memref<!tpu.dma_semaphore, #tpu.memory_space<semaphore_mem>>) src(%dma_wait3A_692 : memref<200xi32, #tpu.memory_space<hbm>>) dst(%dma_wait3A_689 : memref<200xi32, #tpu.memory_space<vmem>>)
    %dma_wait3A_693 = arith.constant 0 : i32
    %dma_wait3A_694 = arith.constant 5600 : i32
    %dma_wait3A_695 = tpu.memref_slice %arg5[%dma_wait3A_694] : memref<6400xi32, #tpu.memory_space<vmem>> -> memref<200xi32, #tpu.memory_space<vmem>>
    %dma_wait3A_696 = arith.constant 0 : i32
    %dma_wait3A_697 = tpu.memref_slice %arg2[%dma_wait3A_693, %dma_wait3A_696] : memref<1024x200xi32, #tpu.memory_space<hbm>> -> memref<1x200xi32, #tpu.memory_space<hbm>>
    %dma_wait3A_698 = tpu.memref_squeeze %dma_wait3A_697 : memref<1x200xi32, #tpu.memory_space<hbm>> -> memref<200xi32, #tpu.memory_space<hbm>>
    %dma_wait3A_699 = arith.constant 5600 : i32
    %dma_wait3A_700 = tpu.memref_slice %arg5[%dma_wait3A_699] : memref<6400xi32, #tpu.memory_space<vmem>> -> memref<200xi32, #tpu.memory_space<vmem>>
    %dma_wait3A_701 = arith.constant 0 : i32
    %dma_wait3A_702 = tpu.memref_slice %arg2[%dma_wait3A_693, %dma_wait3A_701] : memref<1024x200xi32, #tpu.memory_space<hbm>> -> memref<1x200xi32, #tpu.memory_space<hbm>>
    %dma_wait3A_703 = tpu.memref_squeeze %dma_wait3A_702 : memref<1x200xi32, #tpu.memory_space<hbm>> -> memref<200xi32, #tpu.memory_space<hbm>>
    tpu.wait_dma2 semaphore(%arg9 : memref<!tpu.dma_semaphore, #tpu.memory_space<semaphore_mem>>) src(%dma_wait3A_703 : memref<200xi32, #tpu.memory_space<hbm>>) dst(%dma_wait3A_700 : memref<200xi32, #tpu.memory_space<vmem>>)
    %dma_wait3A_704 = arith.constant 0 : i32
    %dma_wait3A_705 = arith.constant 5800 : i32
    %dma_wait3A_706 = tpu.memref_slice %arg5[%dma_wait3A_705] : memref<6400xi32, #tpu.memory_space<vmem>> -> memref<200xi32, #tpu.memory_space<vmem>>
    %dma_wait3A_707 = arith.constant 0 : i32
    %dma_wait3A_708 = tpu.memref_slice %arg2[%dma_wait3A_704, %dma_wait3A_707] : memref<1024x200xi32, #tpu.memory_space<hbm>> -> memref<1x200xi32, #tpu.memory_space<hbm>>
    %dma_wait3A_709 = tpu.memref_squeeze %dma_wait3A_708 : memref<1x200xi32, #tpu.memory_space<hbm>> -> memref<200xi32, #tpu.memory_space<hbm>>
    %dma_wait3A_710 = arith.constant 5800 : i32
    %dma_wait3A_711 = tpu.memref_slice %arg5[%dma_wait3A_710] : memref<6400xi32, #tpu.memory_space<vmem>> -> memref<200xi32, #tpu.memory_space<vmem>>
    %dma_wait3A_712 = arith.constant 0 : i32
    %dma_wait3A_713 = tpu.memref_slice %arg2[%dma_wait3A_704, %dma_wait3A_712] : memref<1024x200xi32, #tpu.memory_space<hbm>> -> memref<1x200xi32, #tpu.memory_space<hbm>>
    %dma_wait3A_714 = tpu.memref_squeeze %dma_wait3A_713 : memref<1x200xi32, #tpu.memory_space<hbm>> -> memref<200xi32, #tpu.memory_space<hbm>>
    tpu.wait_dma2 semaphore(%arg9 : memref<!tpu.dma_semaphore, #tpu.memory_space<semaphore_mem>>) src(%dma_wait3A_714 : memref<200xi32, #tpu.memory_space<hbm>>) dst(%dma_wait3A_711 : memref<200xi32, #tpu.memory_space<vmem>>)
    %dma_wait3A_715 = arith.constant 0 : i32
    %dma_wait3A_716 = arith.constant 6000 : i32
    %dma_wait3A_717 = tpu.memref_slice %arg5[%dma_wait3A_716] : memref<6400xi32, #tpu.memory_space<vmem>> -> memref<200xi32, #tpu.memory_space<vmem>>
    %dma_wait3A_718 = arith.constant 0 : i32
    %dma_wait3A_719 = tpu.memref_slice %arg2[%dma_wait3A_715, %dma_wait3A_718] : memref<1024x200xi32, #tpu.memory_space<hbm>> -> memref<1x200xi32, #tpu.memory_space<hbm>>
    %dma_wait3A_720 = tpu.memref_squeeze %dma_wait3A_719 : memref<1x200xi32, #tpu.memory_space<hbm>> -> memref<200xi32, #tpu.memory_space<hbm>>
    %dma_wait3A_721 = arith.constant 6000 : i32
    %dma_wait3A_722 = tpu.memref_slice %arg5[%dma_wait3A_721] : memref<6400xi32, #tpu.memory_space<vmem>> -> memref<200xi32, #tpu.memory_space<vmem>>
    %dma_wait3A_723 = arith.constant 0 : i32
    %dma_wait3A_724 = tpu.memref_slice %arg2[%dma_wait3A_715, %dma_wait3A_723] : memref<1024x200xi32, #tpu.memory_space<hbm>> -> memref<1x200xi32, #tpu.memory_space<hbm>>
    %dma_wait3A_725 = tpu.memref_squeeze %dma_wait3A_724 : memref<1x200xi32, #tpu.memory_space<hbm>> -> memref<200xi32, #tpu.memory_space<hbm>>
    tpu.wait_dma2 semaphore(%arg9 : memref<!tpu.dma_semaphore, #tpu.memory_space<semaphore_mem>>) src(%dma_wait3A_725 : memref<200xi32, #tpu.memory_space<hbm>>) dst(%dma_wait3A_722 : memref<200xi32, #tpu.memory_space<vmem>>)
    %dma_wait3A_726 = arith.constant 0 : i32
    %dma_wait3A_727 = arith.constant 6200 : i32
    %dma_wait3A_728 = tpu.memref_slice %arg5[%dma_wait3A_727] : memref<6400xi32, #tpu.memory_space<vmem>> -> memref<200xi32, #tpu.memory_space<vmem>>
    %dma_wait3A_729 = arith.constant 0 : i32
    %dma_wait3A_730 = tpu.memref_slice %arg2[%dma_wait3A_726, %dma_wait3A_729] : memref<1024x200xi32, #tpu.memory_space<hbm>> -> memref<1x200xi32, #tpu.memory_space<hbm>>
    %dma_wait3A_731 = tpu.memref_squeeze %dma_wait3A_730 : memref<1x200xi32, #tpu.memory_space<hbm>> -> memref<200xi32, #tpu.memory_space<hbm>>
    %dma_wait3A_732 = arith.constant 6200 : i32
    %dma_wait3A_733 = tpu.memref_slice %arg5[%dma_wait3A_732] : memref<6400xi32, #tpu.memory_space<vmem>> -> memref<200xi32, #tpu.memory_space<vmem>>
    %dma_wait3A_734 = arith.constant 0 : i32
    %dma_wait3A_735 = tpu.memref_slice %arg2[%dma_wait3A_726, %dma_wait3A_734] : memref<1024x200xi32, #tpu.memory_space<hbm>> -> memref<1x200xi32, #tpu.memory_space<hbm>>
    %dma_wait3A_736 = tpu.memref_squeeze %dma_wait3A_735 : memref<1x200xi32, #tpu.memory_space<hbm>> -> memref<200xi32, #tpu.memory_space<hbm>>
    tpu.wait_dma2 semaphore(%arg9 : memref<!tpu.dma_semaphore, #tpu.memory_space<semaphore_mem>>) src(%dma_wait3A_736 : memref<200xi32, #tpu.memory_space<hbm>>) dst(%dma_wait3A_733 : memref<200xi32, #tpu.memory_space<vmem>>)
    %dma_start3A_737 = arith.constant 0 : i32
    %dma_start3A_738 = tpu.memref_slice %arg5[%dma_start3A_737] : memref<6400xi32, #tpu.memory_space<vmem>> -> memref<400xi32, #tpu.memory_space<vmem>>
    %dma_start3A_739 = arith.constant 0 : i32
    %dma_start3A_740 = arith.constant 0 : i32
    %dma_start3A_741 = tpu.memref_slice %arg3[%dma_start3A_739, %dma_start3A_740] : memref<1000000x64xf32, #tpu.memory_space<hbm>> -> memref<1000000x64xf32, #tpu.memory_space<hbm>>
    tpu.enqueue_indirect_dma source(%dma_start3A_741 : memref<1000000x64xf32, #tpu.memory_space<hbm>>) target(%arg6 : memref<400x64xf32, #tpu.memory_space<vmem>>) offsets(%dma_start3A_738 : memref<400xi32, #tpu.memory_space<vmem>>) semaphore(%arg10 : memref<!tpu.dma_semaphore, #tpu.memory_space<semaphore_mem>>)
    %dma_start3A_742 = arith.constant 400 : i32
    %dma_start3A_743 = tpu.memref_slice %arg5[%dma_start3A_742] : memref<6400xi32, #tpu.memory_space<vmem>> -> memref<400xi32, #tpu.memory_space<vmem>>
    %dma_start3A_744 = arith.constant 0 : i32
    %dma_start3A_745 = arith.constant 0 : i32
    %dma_start3A_746 = tpu.memref_slice %arg3[%dma_start3A_744, %dma_start3A_745] : memref<1000000x64xf32, #tpu.memory_space<hbm>> -> memref<1000000x64xf32, #tpu.memory_space<hbm>>
    tpu.enqueue_indirect_dma source(%dma_start3A_746 : memref<1000000x64xf32, #tpu.memory_space<hbm>>) target(%arg7 : memref<400x64xf32, #tpu.memory_space<vmem>>) offsets(%dma_start3A_743 : memref<400xi32, #tpu.memory_space<vmem>>) semaphore(%arg11 : memref<!tpu.dma_semaphore, #tpu.memory_space<semaphore_mem>>)
    %scan3A = arith.constant 0 : i32
    %scan3A_747 = arith.constant 0 : i32
    %scan3A_748 = arith.constant 5 : i32
    %scan3A_749 = arith.addi %scan3A_747, %scan3A_748 : i32
    %scan3A_750 = arith.constant 1 : i32
    scf.for %scan3A_881 = %scan3A_747 to %scan3A_749 step %scan3A_750  : i32 {
      %mul3A_882 = arith.constant 3 : i32
      %mul3A_883 = arith.muli %mul3A_882, %scan3A_881 : i32
      %add3A_884 = arith.constant 0 : i32
      %add3A_885 = arith.addi %mul3A_883, %add3A_884 : i32
      %dma_wait3A_886 = arith.constant 0 : i32
      %dma_wait3A_887 = tpu.memref_slice %arg5[%dma_wait3A_886] : memref<6400xi32, #tpu.memory_space<vmem>> -> memref<400xi32, #tpu.memory_space<vmem>>
      %dma_wait3A_888 = arith.constant 0 : i32
      %dma_wait3A_889 = arith.constant 0 : i32
      %dma_wait3A_890 = tpu.memref_slice %arg3[%dma_wait3A_888, %dma_wait3A_889] : memref<1000000x64xf32, #tpu.memory_space<hbm>> -> memref<1000000x64xf32, #tpu.memory_space<hbm>>
      tpu.wait_indirect_dma semaphore(%arg10 : memref<!tpu.dma_semaphore, #tpu.memory_space<semaphore_mem>>) src(%dma_wait3A_890 : memref<1000000x64xf32, #tpu.memory_space<hbm>>) dst(%arg6 : memref<400x64xf32, #tpu.memory_space<vmem>>)
      %ge3A = arith.constant 1 : i32
      %ge3A_891 = arith.cmpi sge, %add3A_885, %ge3A : i32
      %add3A_892 = arith.constant 2 : i32
      %add3A_893 = arith.addi %add3A_885, %add3A_892 : i32
      %lt3A = arith.constant 16 : i32
      %lt3A_894 = arith.cmpi slt, %add3A_893, %lt3A : i32
      %and3A = arith.andi %ge3A_891, %lt3A_894 : i1
      %convert_element_type3A = arith.extui %and3A : i1 to i32
      %cond3A = arith.constant 0 : i32
      %cond3A_895 = arith.cmpi ne, %convert_element_type3A, %cond3A : i32
      scf.if %cond3A_895 {
        %dma_wait3A_1069 = arith.constant 0 : i32
        %dma_wait3A_1070 = arith.constant 0 : i32
        %dma_wait3A_1071 = arith.constant 0 : i32
        %dma_wait3A_1072 = tpu.memref_slice %arg8[%dma_wait3A_1070, %dma_wait3A_1071] : memref<400x64xf32, #tpu.memory_space<vmem>> -> memref<200x64xf32, #tpu.memory_space<vmem>>
        %dma_wait3A_1073 = arith.constant 0 : i32
        %dma_wait3A_1074 = arith.constant 0 : i32
        %dma_wait3A_1075 = tpu.memref_slice %arg4[%dma_wait3A_1069, %dma_wait3A_1073, %dma_wait3A_1074] : memref<1024x200x64xf32, #tpu.memory_space<hbm>> -> memref<1x200x64xf32, #tpu.memory_space<hbm>>
        %dma_wait3A_1076 = tpu.memref_squeeze %dma_wait3A_1075 : memref<1x200x64xf32, #tpu.memory_space<hbm>> -> memref<200x64xf32, #tpu.memory_space<hbm>>
        %dma_wait3A_1077 = arith.constant 0 : i32
        %dma_wait3A_1078 = arith.constant 0 : i32
        %dma_wait3A_1079 = tpu.memref_slice %arg4[%dma_wait3A_1069, %dma_wait3A_1077, %dma_wait3A_1078] : memref<1024x200x64xf32, #tpu.memory_space<hbm>> -> memref<1x200x64xf32, #tpu.memory_space<hbm>>
        %dma_wait3A_1080 = tpu.memref_squeeze %dma_wait3A_1079 : memref<1x200x64xf32, #tpu.memory_space<hbm>> -> memref<200x64xf32, #tpu.memory_space<hbm>>
        %dma_wait3A_1081 = arith.constant 0 : i32
        %dma_wait3A_1082 = arith.constant 0 : i32
        %dma_wait3A_1083 = tpu.memref_slice %arg8[%dma_wait3A_1081, %dma_wait3A_1082] : memref<400x64xf32, #tpu.memory_space<vmem>> -> memref<200x64xf32, #tpu.memory_space<vmem>>
        tpu.wait_dma2 semaphore(%arg15 : memref<!tpu.dma_semaphore, #tpu.memory_space<semaphore_mem>>) src(%dma_wait3A_1083 : memref<200x64xf32, #tpu.memory_space<vmem>>) dst(%dma_wait3A_1080 : memref<200x64xf32, #tpu.memory_space<hbm>>)
        %dma_wait3A_1084 = arith.constant 0 : i32
        %dma_wait3A_1085 = arith.constant 200 : i32
        %dma_wait3A_1086 = arith.constant 0 : i32
        %dma_wait3A_1087 = tpu.memref_slice %arg8[%dma_wait3A_1085, %dma_wait3A_1086] : memref<400x64xf32, #tpu.memory_space<vmem>> -> memref<200x64xf32, #tpu.memory_space<vmem>>
        %dma_wait3A_1088 = arith.constant 0 : i32
        %dma_wait3A_1089 = arith.constant 0 : i32
        %dma_wait3A_1090 = tpu.memref_slice %arg4[%dma_wait3A_1084, %dma_wait3A_1088, %dma_wait3A_1089] : memref<1024x200x64xf32, #tpu.memory_space<hbm>> -> memref<1x200x64xf32, #tpu.memory_space<hbm>>
        %dma_wait3A_1091 = tpu.memref_squeeze %dma_wait3A_1090 : memref<1x200x64xf32, #tpu.memory_space<hbm>> -> memref<200x64xf32, #tpu.memory_space<hbm>>
        %dma_wait3A_1092 = arith.constant 0 : i32
        %dma_wait3A_1093 = arith.constant 0 : i32
        %dma_wait3A_1094 = tpu.memref_slice %arg4[%dma_wait3A_1084, %dma_wait3A_1092, %dma_wait3A_1093] : memref<1024x200x64xf32, #tpu.memory_space<hbm>> -> memref<1x200x64xf32, #tpu.memory_space<hbm>>
        %dma_wait3A_1095 = tpu.memref_squeeze %dma_wait3A_1094 : memref<1x200x64xf32, #tpu.memory_space<hbm>> -> memref<200x64xf32, #tpu.memory_space<hbm>>
        %dma_wait3A_1096 = arith.constant 200 : i32
        %dma_wait3A_1097 = arith.constant 0 : i32
        %dma_wait3A_1098 = tpu.memref_slice %arg8[%dma_wait3A_1096, %dma_wait3A_1097] : memref<400x64xf32, #tpu.memory_space<vmem>> -> memref<200x64xf32, #tpu.memory_space<vmem>>
        tpu.wait_dma2 semaphore(%arg15 : memref<!tpu.dma_semaphore, #tpu.memory_space<semaphore_mem>>) src(%dma_wait3A_1098 : memref<200x64xf32, #tpu.memory_space<vmem>>) dst(%dma_wait3A_1095 : memref<200x64xf32, #tpu.memory_space<hbm>>)
        %add3A_1099 = arith.constant 2 : i32
        %add3A_1100 = arith.addi %add3A_885, %add3A_1099 : i32
        %mul3A_1101 = arith.constant 400 : i32
        %mul3A_1102 = arith.muli %add3A_1100, %mul3A_1101 : i32
        %dma_start3A_1103 = tpu.memref_slice %arg5[%mul3A_1102] : memref<6400xi32, #tpu.memory_space<vmem>> -> memref<400xi32, #tpu.memory_space<vmem>>
        %dma_start3A_1104 = arith.constant 0 : i32
        %dma_start3A_1105 = arith.constant 0 : i32
        %dma_start3A_1106 = tpu.memref_slice %arg3[%dma_start3A_1104, %dma_start3A_1105] : memref<1000000x64xf32, #tpu.memory_space<hbm>> -> memref<1000000x64xf32, #tpu.memory_space<hbm>>
        tpu.enqueue_indirect_dma source(%dma_start3A_1106 : memref<1000000x64xf32, #tpu.memory_space<hbm>>) target(%arg8 : memref<400x64xf32, #tpu.memory_space<vmem>>) offsets(%dma_start3A_1103 : memref<400xi32, #tpu.memory_space<vmem>>) semaphore(%arg12 : memref<!tpu.dma_semaphore, #tpu.memory_space<semaphore_mem>>)
      } else {
      }
      %lt3A_896 = arith.constant 1 : i32
      %lt3A_897 = arith.cmpi slt, %add3A_885, %lt3A_896 : i32
      %add3A_898 = arith.constant 2 : i32
      %add3A_899 = arith.addi %add3A_885, %add3A_898 : i32
      %lt3A_900 = arith.constant 16 : i32
      %lt3A_901 = arith.cmpi slt, %add3A_899, %lt3A_900 : i32
      %and3A_902 = arith.andi %lt3A_897, %lt3A_901 : i1
      %convert_element_type3A_903 = arith.extui %and3A_902 : i1 to i32
      %cond3A_904 = arith.constant 0 : i32
      %cond3A_905 = arith.cmpi ne, %convert_element_type3A_903, %cond3A_904 : i32
      scf.if %cond3A_905 {
        %add3A_1069 = arith.constant 2 : i32
        %add3A_1070 = arith.addi %add3A_885, %add3A_1069 : i32
        %mul3A_1071 = arith.constant 400 : i32
        %mul3A_1072 = arith.muli %add3A_1070, %mul3A_1071 : i32
        %dma_start3A_1073 = tpu.memref_slice %arg5[%mul3A_1072] : memref<6400xi32, #tpu.memory_space<vmem>> -> memref<400xi32, #tpu.memory_space<vmem>>
        %dma_start3A_1074 = arith.constant 0 : i32
        %dma_start3A_1075 = arith.constant 0 : i32
        %dma_start3A_1076 = tpu.memref_slice %arg3[%dma_start3A_1074, %dma_start3A_1075] : memref<1000000x64xf32, #tpu.memory_space<hbm>> -> memref<1000000x64xf32, #tpu.memory_space<hbm>>
        tpu.enqueue_indirect_dma source(%dma_start3A_1076 : memref<1000000x64xf32, #tpu.memory_space<hbm>>) target(%arg8 : memref<400x64xf32, #tpu.memory_space<vmem>>) offsets(%dma_start3A_1073 : memref<400xi32, #tpu.memory_space<vmem>>) semaphore(%arg12 : memref<!tpu.dma_semaphore, #tpu.memory_space<semaphore_mem>>)
      } else {
      }
      %mul3A_906 = arith.constant 2 : i32
      %mul3A_907 = arith.muli %mul3A_906, %add3A_885 : i32
      %add3A_908 = arith.addi %mul3A_2, %mul3A_907 : i32
      %add3A_909 = arith.constant 0 : i32
      %add3A_910 = arith.addi %add3A_908, %add3A_909 : i32
      %dma_start3A_911 = arith.constant 0 : i32
      %dma_start3A_912 = arith.constant 0 : i32
      %dma_start3A_913 = tpu.memref_slice %arg6[%dma_start3A_911, %dma_start3A_912] : memref<400x64xf32, #tpu.memory_space<vmem>> -> memref<200x64xf32, #tpu.memory_space<vmem>>
      %dma_start3A_914 = arith.constant 0 : i32
      %dma_start3A_915 = arith.constant 0 : i32
      %dma_start3A_916 = tpu.memref_slice %arg4[%add3A_910, %dma_start3A_914, %dma_start3A_915] : memref<1024x200x64xf32, #tpu.memory_space<hbm>> -> memref<1x200x64xf32, #tpu.memory_space<hbm>>
      %dma_start3A_917 = tpu.memref_squeeze %dma_start3A_916 : memref<1x200x64xf32, #tpu.memory_space<hbm>> -> memref<200x64xf32, #tpu.memory_space<hbm>>
      %dma_start3A_918 = arith.constant 0 : i32
      %dma_start3A_919 = arith.constant 0 : i32
      %dma_start3A_920 = tpu.memref_slice %arg4[%add3A_910, %dma_start3A_918, %dma_start3A_919] : memref<1024x200x64xf32, #tpu.memory_space<hbm>> -> memref<1x200x64xf32, #tpu.memory_space<hbm>>
      %dma_start3A_921 = tpu.memref_squeeze %dma_start3A_920 : memref<1x200x64xf32, #tpu.memory_space<hbm>> -> memref<200x64xf32, #tpu.memory_space<hbm>>
      %dma_start3A_922 = arith.constant 0 : i32
      %dma_start3A_923 = arith.constant 0 : i32
      %dma_start3A_924 = tpu.memref_slice %arg6[%dma_start3A_922, %dma_start3A_923] : memref<400x64xf32, #tpu.memory_space<vmem>> -> memref<200x64xf32, #tpu.memory_space<vmem>>
      tpu.enqueue_dma source(%dma_start3A_924 : memref<200x64xf32, #tpu.memory_space<vmem>>) target(%dma_start3A_921 : memref<200x64xf32, #tpu.memory_space<hbm>>) target_semaphore(%arg13 : memref<!tpu.dma_semaphore, #tpu.memory_space<semaphore_mem>>)
      %add3A_925 = arith.constant 1 : i32
      %add3A_926 = arith.addi %add3A_908, %add3A_925 : i32
      %dma_start3A_927 = arith.constant 200 : i32
      %dma_start3A_928 = arith.constant 0 : i32
      %dma_start3A_929 = tpu.memref_slice %arg6[%dma_start3A_927, %dma_start3A_928] : memref<400x64xf32, #tpu.memory_space<vmem>> -> memref<200x64xf32, #tpu.memory_space<vmem>>
      %dma_start3A_930 = arith.constant 0 : i32
      %dma_start3A_931 = arith.constant 0 : i32
      %dma_start3A_932 = tpu.memref_slice %arg4[%add3A_926, %dma_start3A_930, %dma_start3A_931] : memref<1024x200x64xf32, #tpu.memory_space<hbm>> -> memref<1x200x64xf32, #tpu.memory_space<hbm>>
      %dma_start3A_933 = tpu.memref_squeeze %dma_start3A_932 : memref<1x200x64xf32, #tpu.memory_space<hbm>> -> memref<200x64xf32, #tpu.memory_space<hbm>>
      %dma_start3A_934 = arith.constant 0 : i32
      %dma_start3A_935 = arith.constant 0 : i32
      %dma_start3A_936 = tpu.memref_slice %arg4[%add3A_926, %dma_start3A_934, %dma_start3A_935] : memref<1024x200x64xf32, #tpu.memory_space<hbm>> -> memref<1x200x64xf32, #tpu.memory_space<hbm>>
      %dma_start3A_937 = tpu.memref_squeeze %dma_start3A_936 : memref<1x200x64xf32, #tpu.memory_space<hbm>> -> memref<200x64xf32, #tpu.memory_space<hbm>>
      %dma_start3A_938 = arith.constant 200 : i32
      %dma_start3A_939 = arith.constant 0 : i32
      %dma_start3A_940 = tpu.memref_slice %arg6[%dma_start3A_938, %dma_start3A_939] : memref<400x64xf32, #tpu.memory_space<vmem>> -> memref<200x64xf32, #tpu.memory_space<vmem>>
      tpu.enqueue_dma source(%dma_start3A_940 : memref<200x64xf32, #tpu.memory_space<vmem>>) target(%dma_start3A_937 : memref<200x64xf32, #tpu.memory_space<hbm>>) target_semaphore(%arg13 : memref<!tpu.dma_semaphore, #tpu.memory_space<semaphore_mem>>)
      %mul3A_941 = arith.constant 3 : i32
      %mul3A_942 = arith.muli %mul3A_941, %scan3A_881 : i32
      %add3A_943 = arith.constant 1 : i32
      %add3A_944 = arith.addi %mul3A_942, %add3A_943 : i32
      %dma_wait3A_945 = arith.constant 0 : i32
      %dma_wait3A_946 = tpu.memref_slice %arg5[%dma_wait3A_945] : memref<6400xi32, #tpu.memory_space<vmem>> -> memref<400xi32, #tpu.memory_space<vmem>>
      %dma_wait3A_947 = arith.constant 0 : i32
      %dma_wait3A_948 = arith.constant 0 : i32
      %dma_wait3A_949 = tpu.memref_slice %arg3[%dma_wait3A_947, %dma_wait3A_948] : memref<1000000x64xf32, #tpu.memory_space<hbm>> -> memref<1000000x64xf32, #tpu.memory_space<hbm>>
      tpu.wait_indirect_dma semaphore(%arg11 : memref<!tpu.dma_semaphore, #tpu.memory_space<semaphore_mem>>) src(%dma_wait3A_949 : memref<1000000x64xf32, #tpu.memory_space<hbm>>) dst(%arg7 : memref<400x64xf32, #tpu.memory_space<vmem>>)
      %ge3A_950 = arith.constant 1 : i32
      %ge3A_951 = arith.cmpi sge, %add3A_944, %ge3A_950 : i32
      %add3A_952 = arith.constant 2 : i32
      %add3A_953 = arith.addi %add3A_944, %add3A_952 : i32
      %lt3A_954 = arith.constant 16 : i32
      %lt3A_955 = arith.cmpi slt, %add3A_953, %lt3A_954 : i32
      %and3A_956 = arith.andi %ge3A_951, %lt3A_955 : i1
      %convert_element_type3A_957 = arith.extui %and3A_956 : i1 to i32
      %cond3A_958 = arith.constant 0 : i32
      %cond3A_959 = arith.cmpi ne, %convert_element_type3A_957, %cond3A_958 : i32
      scf.if %cond3A_959 {
        %dma_wait3A_1069 = arith.constant 0 : i32
        %dma_wait3A_1070 = arith.constant 0 : i32
        %dma_wait3A_1071 = arith.constant 0 : i32
        %dma_wait3A_1072 = tpu.memref_slice %arg6[%dma_wait3A_1070, %dma_wait3A_1071] : memref<400x64xf32, #tpu.memory_space<vmem>> -> memref<200x64xf32, #tpu.memory_space<vmem>>
        %dma_wait3A_1073 = arith.constant 0 : i32
        %dma_wait3A_1074 = arith.constant 0 : i32
        %dma_wait3A_1075 = tpu.memref_slice %arg4[%dma_wait3A_1069, %dma_wait3A_1073, %dma_wait3A_1074] : memref<1024x200x64xf32, #tpu.memory_space<hbm>> -> memref<1x200x64xf32, #tpu.memory_space<hbm>>
        %dma_wait3A_1076 = tpu.memref_squeeze %dma_wait3A_1075 : memref<1x200x64xf32, #tpu.memory_space<hbm>> -> memref<200x64xf32, #tpu.memory_space<hbm>>
        %dma_wait3A_1077 = arith.constant 0 : i32
        %dma_wait3A_1078 = arith.constant 0 : i32
        %dma_wait3A_1079 = tpu.memref_slice %arg4[%dma_wait3A_1069, %dma_wait3A_1077, %dma_wait3A_1078] : memref<1024x200x64xf32, #tpu.memory_space<hbm>> -> memref<1x200x64xf32, #tpu.memory_space<hbm>>
        %dma_wait3A_1080 = tpu.memref_squeeze %dma_wait3A_1079 : memref<1x200x64xf32, #tpu.memory_space<hbm>> -> memref<200x64xf32, #tpu.memory_space<hbm>>
        %dma_wait3A_1081 = arith.constant 0 : i32
        %dma_wait3A_1082 = arith.constant 0 : i32
        %dma_wait3A_1083 = tpu.memref_slice %arg6[%dma_wait3A_1081, %dma_wait3A_1082] : memref<400x64xf32, #tpu.memory_space<vmem>> -> memref<200x64xf32, #tpu.memory_space<vmem>>
        tpu.wait_dma2 semaphore(%arg13 : memref<!tpu.dma_semaphore, #tpu.memory_space<semaphore_mem>>) src(%dma_wait3A_1083 : memref<200x64xf32, #tpu.memory_space<vmem>>) dst(%dma_wait3A_1080 : memref<200x64xf32, #tpu.memory_space<hbm>>)
        %dma_wait3A_1084 = arith.constant 0 : i32
        %dma_wait3A_1085 = arith.constant 200 : i32
        %dma_wait3A_1086 = arith.constant 0 : i32
        %dma_wait3A_1087 = tpu.memref_slice %arg6[%dma_wait3A_1085, %dma_wait3A_1086] : memref<400x64xf32, #tpu.memory_space<vmem>> -> memref<200x64xf32, #tpu.memory_space<vmem>>
        %dma_wait3A_1088 = arith.constant 0 : i32
        %dma_wait3A_1089 = arith.constant 0 : i32
        %dma_wait3A_1090 = tpu.memref_slice %arg4[%dma_wait3A_1084, %dma_wait3A_1088, %dma_wait3A_1089] : memref<1024x200x64xf32, #tpu.memory_space<hbm>> -> memref<1x200x64xf32, #tpu.memory_space<hbm>>
        %dma_wait3A_1091 = tpu.memref_squeeze %dma_wait3A_1090 : memref<1x200x64xf32, #tpu.memory_space<hbm>> -> memref<200x64xf32, #tpu.memory_space<hbm>>
        %dma_wait3A_1092 = arith.constant 0 : i32
        %dma_wait3A_1093 = arith.constant 0 : i32
        %dma_wait3A_1094 = tpu.memref_slice %arg4[%dma_wait3A_1084, %dma_wait3A_1092, %dma_wait3A_1093] : memref<1024x200x64xf32, #tpu.memory_space<hbm>> -> memref<1x200x64xf32, #tpu.memory_space<hbm>>
        %dma_wait3A_1095 = tpu.memref_squeeze %dma_wait3A_1094 : memref<1x200x64xf32, #tpu.memory_space<hbm>> -> memref<200x64xf32, #tpu.memory_space<hbm>>
        %dma_wait3A_1096 = arith.constant 200 : i32
        %dma_wait3A_1097 = arith.constant 0 : i32
        %dma_wait3A_1098 = tpu.memref_slice %arg6[%dma_wait3A_1096, %dma_wait3A_1097] : memref<400x64xf32, #tpu.memory_space<vmem>> -> memref<200x64xf32, #tpu.memory_space<vmem>>
        tpu.wait_dma2 semaphore(%arg13 : memref<!tpu.dma_semaphore, #tpu.memory_space<semaphore_mem>>) src(%dma_wait3A_1098 : memref<200x64xf32, #tpu.memory_space<vmem>>) dst(%dma_wait3A_1095 : memref<200x64xf32, #tpu.memory_space<hbm>>)
        %add3A_1099 = arith.constant 2 : i32
        %add3A_1100 = arith.addi %add3A_944, %add3A_1099 : i32
        %mul3A_1101 = arith.constant 400 : i32
        %mul3A_1102 = arith.muli %add3A_1100, %mul3A_1101 : i32
        %dma_start3A_1103 = tpu.memref_slice %arg5[%mul3A_1102] : memref<6400xi32, #tpu.memory_space<vmem>> -> memref<400xi32, #tpu.memory_space<vmem>>
        %dma_start3A_1104 = arith.constant 0 : i32
        %dma_start3A_1105 = arith.constant 0 : i32
        %dma_start3A_1106 = tpu.memref_slice %arg3[%dma_start3A_1104, %dma_start3A_1105] : memref<1000000x64xf32, #tpu.memory_space<hbm>> -> memref<1000000x64xf32, #tpu.memory_space<hbm>>
        tpu.enqueue_indirect_dma source(%dma_start3A_1106 : memref<1000000x64xf32, #tpu.memory_space<hbm>>) target(%arg6 : memref<400x64xf32, #tpu.memory_space<vmem>>) offsets(%dma_start3A_1103 : memref<400xi32, #tpu.memory_space<vmem>>) semaphore(%arg10 : memref<!tpu.dma_semaphore, #tpu.memory_space<semaphore_mem>>)
      } else {
      }
      %lt3A_960 = arith.constant 1 : i32
      %lt3A_961 = arith.cmpi slt, %add3A_944, %lt3A_960 : i32
      %add3A_962 = arith.constant 2 : i32
      %add3A_963 = arith.addi %add3A_944, %add3A_962 : i32
      %lt3A_964 = arith.constant 16 : i32
      %lt3A_965 = arith.cmpi slt, %add3A_963, %lt3A_964 : i32
      %and3A_966 = arith.andi %lt3A_961, %lt3A_965 : i1
      %convert_element_type3A_967 = arith.extui %and3A_966 : i1 to i32
      %cond3A_968 = arith.constant 0 : i32
      %cond3A_969 = arith.cmpi ne, %convert_element_type3A_967, %cond3A_968 : i32
      scf.if %cond3A_969 {
        %add3A_1069 = arith.constant 2 : i32
        %add3A_1070 = arith.addi %add3A_944, %add3A_1069 : i32
        %mul3A_1071 = arith.constant 400 : i32
        %mul3A_1072 = arith.muli %add3A_1070, %mul3A_1071 : i32
        %dma_start3A_1073 = tpu.memref_slice %arg5[%mul3A_1072] : memref<6400xi32, #tpu.memory_space<vmem>> -> memref<400xi32, #tpu.memory_space<vmem>>
        %dma_start3A_1074 = arith.constant 0 : i32
        %dma_start3A_1075 = arith.constant 0 : i32
        %dma_start3A_1076 = tpu.memref_slice %arg3[%dma_start3A_1074, %dma_start3A_1075] : memref<1000000x64xf32, #tpu.memory_space<hbm>> -> memref<1000000x64xf32, #tpu.memory_space<hbm>>
        tpu.enqueue_indirect_dma source(%dma_start3A_1076 : memref<1000000x64xf32, #tpu.memory_space<hbm>>) target(%arg6 : memref<400x64xf32, #tpu.memory_space<vmem>>) offsets(%dma_start3A_1073 : memref<400xi32, #tpu.memory_space<vmem>>) semaphore(%arg10 : memref<!tpu.dma_semaphore, #tpu.memory_space<semaphore_mem>>)
      } else {
      }
      %mul3A_970 = arith.constant 2 : i32
      %mul3A_971 = arith.muli %mul3A_970, %add3A_944 : i32
      %add3A_972 = arith.addi %mul3A_2, %mul3A_971 : i32
      %add3A_973 = arith.constant 0 : i32
      %add3A_974 = arith.addi %add3A_972, %add3A_973 : i32
      %dma_start3A_975 = arith.constant 0 : i32
      %dma_start3A_976 = arith.constant 0 : i32
      %dma_start3A_977 = tpu.memref_slice %arg7[%dma_start3A_975, %dma_start3A_976] : memref<400x64xf32, #tpu.memory_space<vmem>> -> memref<200x64xf32, #tpu.memory_space<vmem>>
      %dma_start3A_978 = arith.constant 0 : i32
      %dma_start3A_979 = arith.constant 0 : i32
      %dma_start3A_980 = tpu.memref_slice %arg4[%add3A_974, %dma_start3A_978, %dma_start3A_979] : memref<1024x200x64xf32, #tpu.memory_space<hbm>> -> memref<1x200x64xf32, #tpu.memory_space<hbm>>
      %dma_start3A_981 = tpu.memref_squeeze %dma_start3A_980 : memref<1x200x64xf32, #tpu.memory_space<hbm>> -> memref<200x64xf32, #tpu.memory_space<hbm>>
      %dma_start3A_982 = arith.constant 0 : i32
      %dma_start3A_983 = arith.constant 0 : i32
      %dma_start3A_984 = tpu.memref_slice %arg4[%add3A_974, %dma_start3A_982, %dma_start3A_983] : memref<1024x200x64xf32, #tpu.memory_space<hbm>> -> memref<1x200x64xf32, #tpu.memory_space<hbm>>
      %dma_start3A_985 = tpu.memref_squeeze %dma_start3A_984 : memref<1x200x64xf32, #tpu.memory_space<hbm>> -> memref<200x64xf32, #tpu.memory_space<hbm>>
      %dma_start3A_986 = arith.constant 0 : i32
      %dma_start3A_987 = arith.constant 0 : i32
      %dma_start3A_988 = tpu.memref_slice %arg7[%dma_start3A_986, %dma_start3A_987] : memref<400x64xf32, #tpu.memory_space<vmem>> -> memref<200x64xf32, #tpu.memory_space<vmem>>
      tpu.enqueue_dma source(%dma_start3A_988 : memref<200x64xf32, #tpu.memory_space<vmem>>) target(%dma_start3A_985 : memref<200x64xf32, #tpu.memory_space<hbm>>) target_semaphore(%arg14 : memref<!tpu.dma_semaphore, #tpu.memory_space<semaphore_mem>>)
      %add3A_989 = arith.constant 1 : i32
      %add3A_990 = arith.addi %add3A_972, %add3A_989 : i32
      %dma_start3A_991 = arith.constant 200 : i32
      %dma_start3A_992 = arith.constant 0 : i32
      %dma_start3A_993 = tpu.memref_slice %arg7[%dma_start3A_991, %dma_start3A_992] : memref<400x64xf32, #tpu.memory_space<vmem>> -> memref<200x64xf32, #tpu.memory_space<vmem>>
      %dma_start3A_994 = arith.constant 0 : i32
      %dma_start3A_995 = arith.constant 0 : i32
      %dma_start3A_996 = tpu.memref_slice %arg4[%add3A_990, %dma_start3A_994, %dma_start3A_995] : memref<1024x200x64xf32, #tpu.memory_space<hbm>> -> memref<1x200x64xf32, #tpu.memory_space<hbm>>
      %dma_start3A_997 = tpu.memref_squeeze %dma_start3A_996 : memref<1x200x64xf32, #tpu.memory_space<hbm>> -> memref<200x64xf32, #tpu.memory_space<hbm>>
      %dma_start3A_998 = arith.constant 0 : i32
      %dma_start3A_999 = arith.constant 0 : i32
      %dma_start3A_1000 = tpu.memref_slice %arg4[%add3A_990, %dma_start3A_998, %dma_start3A_999] : memref<1024x200x64xf32, #tpu.memory_space<hbm>> -> memref<1x200x64xf32, #tpu.memory_space<hbm>>
      %dma_start3A_1001 = tpu.memref_squeeze %dma_start3A_1000 : memref<1x200x64xf32, #tpu.memory_space<hbm>> -> memref<200x64xf32, #tpu.memory_space<hbm>>
      %dma_start3A_1002 = arith.constant 200 : i32
      %dma_start3A_1003 = arith.constant 0 : i32
      %dma_start3A_1004 = tpu.memref_slice %arg7[%dma_start3A_1002, %dma_start3A_1003] : memref<400x64xf32, #tpu.memory_space<vmem>> -> memref<200x64xf32, #tpu.memory_space<vmem>>
      tpu.enqueue_dma source(%dma_start3A_1004 : memref<200x64xf32, #tpu.memory_space<vmem>>) target(%dma_start3A_1001 : memref<200x64xf32, #tpu.memory_space<hbm>>) target_semaphore(%arg14 : memref<!tpu.dma_semaphore, #tpu.memory_space<semaphore_mem>>)
      %mul3A_1005 = arith.constant 3 : i32
      %mul3A_1006 = arith.muli %mul3A_1005, %scan3A_881 : i32
      %add3A_1007 = arith.constant 2 : i32
      %add3A_1008 = arith.addi %mul3A_1006, %add3A_1007 : i32
      %dma_wait3A_1009 = arith.constant 0 : i32
      %dma_wait3A_1010 = tpu.memref_slice %arg5[%dma_wait3A_1009] : memref<6400xi32, #tpu.memory_space<vmem>> -> memref<400xi32, #tpu.memory_space<vmem>>
      %dma_wait3A_1011 = arith.constant 0 : i32
      %dma_wait3A_1012 = arith.constant 0 : i32
      %dma_wait3A_1013 = tpu.memref_slice %arg3[%dma_wait3A_1011, %dma_wait3A_1012] : memref<1000000x64xf32, #tpu.memory_space<hbm>> -> memref<1000000x64xf32, #tpu.memory_space<hbm>>
      tpu.wait_indirect_dma semaphore(%arg12 : memref<!tpu.dma_semaphore, #tpu.memory_space<semaphore_mem>>) src(%dma_wait3A_1013 : memref<1000000x64xf32, #tpu.memory_space<hbm>>) dst(%arg8 : memref<400x64xf32, #tpu.memory_space<vmem>>)
      %ge3A_1014 = arith.constant 1 : i32
      %ge3A_1015 = arith.cmpi sge, %add3A_1008, %ge3A_1014 : i32
      %add3A_1016 = arith.constant 2 : i32
      %add3A_1017 = arith.addi %add3A_1008, %add3A_1016 : i32
      %lt3A_1018 = arith.constant 16 : i32
      %lt3A_1019 = arith.cmpi slt, %add3A_1017, %lt3A_1018 : i32
      %and3A_1020 = arith.andi %ge3A_1015, %lt3A_1019 : i1
      %convert_element_type3A_1021 = arith.extui %and3A_1020 : i1 to i32
      %cond3A_1022 = arith.constant 0 : i32
      %cond3A_1023 = arith.cmpi ne, %convert_element_type3A_1021, %cond3A_1022 : i32
      scf.if %cond3A_1023 {
        %dma_wait3A_1069 = arith.constant 0 : i32
        %dma_wait3A_1070 = arith.constant 0 : i32
        %dma_wait3A_1071 = arith.constant 0 : i32
        %dma_wait3A_1072 = tpu.memref_slice %arg7[%dma_wait3A_1070, %dma_wait3A_1071] : memref<400x64xf32, #tpu.memory_space<vmem>> -> memref<200x64xf32, #tpu.memory_space<vmem>>
        %dma_wait3A_1073 = arith.constant 0 : i32
        %dma_wait3A_1074 = arith.constant 0 : i32
        %dma_wait3A_1075 = tpu.memref_slice %arg4[%dma_wait3A_1069, %dma_wait3A_1073, %dma_wait3A_1074] : memref<1024x200x64xf32, #tpu.memory_space<hbm>> -> memref<1x200x64xf32, #tpu.memory_space<hbm>>
        %dma_wait3A_1076 = tpu.memref_squeeze %dma_wait3A_1075 : memref<1x200x64xf32, #tpu.memory_space<hbm>> -> memref<200x64xf32, #tpu.memory_space<hbm>>
        %dma_wait3A_1077 = arith.constant 0 : i32
        %dma_wait3A_1078 = arith.constant 0 : i32
        %dma_wait3A_1079 = tpu.memref_slice %arg4[%dma_wait3A_1069, %dma_wait3A_1077, %dma_wait3A_1078] : memref<1024x200x64xf32, #tpu.memory_space<hbm>> -> memref<1x200x64xf32, #tpu.memory_space<hbm>>
        %dma_wait3A_1080 = tpu.memref_squeeze %dma_wait3A_1079 : memref<1x200x64xf32, #tpu.memory_space<hbm>> -> memref<200x64xf32, #tpu.memory_space<hbm>>
        %dma_wait3A_1081 = arith.constant 0 : i32
        %dma_wait3A_1082 = arith.constant 0 : i32
        %dma_wait3A_1083 = tpu.memref_slice %arg7[%dma_wait3A_1081, %dma_wait3A_1082] : memref<400x64xf32, #tpu.memory_space<vmem>> -> memref<200x64xf32, #tpu.memory_space<vmem>>
        tpu.wait_dma2 semaphore(%arg14 : memref<!tpu.dma_semaphore, #tpu.memory_space<semaphore_mem>>) src(%dma_wait3A_1083 : memref<200x64xf32, #tpu.memory_space<vmem>>) dst(%dma_wait3A_1080 : memref<200x64xf32, #tpu.memory_space<hbm>>)
        %dma_wait3A_1084 = arith.constant 0 : i32
        %dma_wait3A_1085 = arith.constant 200 : i32
        %dma_wait3A_1086 = arith.constant 0 : i32
        %dma_wait3A_1087 = tpu.memref_slice %arg7[%dma_wait3A_1085, %dma_wait3A_1086] : memref<400x64xf32, #tpu.memory_space<vmem>> -> memref<200x64xf32, #tpu.memory_space<vmem>>
        %dma_wait3A_1088 = arith.constant 0 : i32
        %dma_wait3A_1089 = arith.constant 0 : i32
        %dma_wait3A_1090 = tpu.memref_slice %arg4[%dma_wait3A_1084, %dma_wait3A_1088, %dma_wait3A_1089] : memref<1024x200x64xf32, #tpu.memory_space<hbm>> -> memref<1x200x64xf32, #tpu.memory_space<hbm>>
        %dma_wait3A_1091 = tpu.memref_squeeze %dma_wait3A_1090 : memref<1x200x64xf32, #tpu.memory_space<hbm>> -> memref<200x64xf32, #tpu.memory_space<hbm>>
        %dma_wait3A_1092 = arith.constant 0 : i32
        %dma_wait3A_1093 = arith.constant 0 : i32
        %dma_wait3A_1094 = tpu.memref_slice %arg4[%dma_wait3A_1084, %dma_wait3A_1092, %dma_wait3A_1093] : memref<1024x200x64xf32, #tpu.memory_space<hbm>> -> memref<1x200x64xf32, #tpu.memory_space<hbm>>
        %dma_wait3A_1095 = tpu.memref_squeeze %dma_wait3A_1094 : memref<1x200x64xf32, #tpu.memory_space<hbm>> -> memref<200x64xf32, #tpu.memory_space<hbm>>
        %dma_wait3A_1096 = arith.constant 200 : i32
        %dma_wait3A_1097 = arith.constant 0 : i32
        %dma_wait3A_1098 = tpu.memref_slice %arg7[%dma_wait3A_1096, %dma_wait3A_1097] : memref<400x64xf32, #tpu.memory_space<vmem>> -> memref<200x64xf32, #tpu.memory_space<vmem>>
        tpu.wait_dma2 semaphore(%arg14 : memref<!tpu.dma_semaphore, #tpu.memory_space<semaphore_mem>>) src(%dma_wait3A_1098 : memref<200x64xf32, #tpu.memory_space<vmem>>) dst(%dma_wait3A_1095 : memref<200x64xf32, #tpu.memory_space<hbm>>)
        %add3A_1099 = arith.constant 2 : i32
        %add3A_1100 = arith.addi %add3A_1008, %add3A_1099 : i32
        %mul3A_1101 = arith.constant 400 : i32
        %mul3A_1102 = arith.muli %add3A_1100, %mul3A_1101 : i32
        %dma_start3A_1103 = tpu.memref_slice %arg5[%mul3A_1102] : memref<6400xi32, #tpu.memory_space<vmem>> -> memref<400xi32, #tpu.memory_space<vmem>>
        %dma_start3A_1104 = arith.constant 0 : i32
        %dma_start3A_1105 = arith.constant 0 : i32
        %dma_start3A_1106 = tpu.memref_slice %arg3[%dma_start3A_1104, %dma_start3A_1105] : memref<1000000x64xf32, #tpu.memory_space<hbm>> -> memref<1000000x64xf32, #tpu.memory_space<hbm>>
        tpu.enqueue_indirect_dma source(%dma_start3A_1106 : memref<1000000x64xf32, #tpu.memory_space<hbm>>) target(%arg7 : memref<400x64xf32, #tpu.memory_space<vmem>>) offsets(%dma_start3A_1103 : memref<400xi32, #tpu.memory_space<vmem>>) semaphore(%arg11 : memref<!tpu.dma_semaphore, #tpu.memory_space<semaphore_mem>>)
      } else {
      }
      %lt3A_1024 = arith.constant 1 : i32
      %lt3A_1025 = arith.cmpi slt, %add3A_1008, %lt3A_1024 : i32
      %add3A_1026 = arith.constant 2 : i32
      %add3A_1027 = arith.addi %add3A_1008, %add3A_1026 : i32
      %lt3A_1028 = arith.constant 16 : i32
      %lt3A_1029 = arith.cmpi slt, %add3A_1027, %lt3A_1028 : i32
      %and3A_1030 = arith.andi %lt3A_1025, %lt3A_1029 : i1
      %convert_element_type3A_1031 = arith.extui %and3A_1030 : i1 to i32
      %cond3A_1032 = arith.constant 0 : i32
      %cond3A_1033 = arith.cmpi ne, %convert_element_type3A_1031, %cond3A_1032 : i32
      scf.if %cond3A_1033 {
        %add3A_1069 = arith.constant 2 : i32
        %add3A_1070 = arith.addi %add3A_1008, %add3A_1069 : i32
        %mul3A_1071 = arith.constant 400 : i32
        %mul3A_1072 = arith.muli %add3A_1070, %mul3A_1071 : i32
        %dma_start3A_1073 = tpu.memref_slice %arg5[%mul3A_1072] : memref<6400xi32, #tpu.memory_space<vmem>> -> memref<400xi32, #tpu.memory_space<vmem>>
        %dma_start3A_1074 = arith.constant 0 : i32
        %dma_start3A_1075 = arith.constant 0 : i32
        %dma_start3A_1076 = tpu.memref_slice %arg3[%dma_start3A_1074, %dma_start3A_1075] : memref<1000000x64xf32, #tpu.memory_space<hbm>> -> memref<1000000x64xf32, #tpu.memory_space<hbm>>
        tpu.enqueue_indirect_dma source(%dma_start3A_1076 : memref<1000000x64xf32, #tpu.memory_space<hbm>>) target(%arg7 : memref<400x64xf32, #tpu.memory_space<vmem>>) offsets(%dma_start3A_1073 : memref<400xi32, #tpu.memory_space<vmem>>) semaphore(%arg11 : memref<!tpu.dma_semaphore, #tpu.memory_space<semaphore_mem>>)
      } else {
      }
      %mul3A_1034 = arith.constant 2 : i32
      %mul3A_1035 = arith.muli %mul3A_1034, %add3A_1008 : i32
      %add3A_1036 = arith.addi %mul3A_2, %mul3A_1035 : i32
      %add3A_1037 = arith.constant 0 : i32
      %add3A_1038 = arith.addi %add3A_1036, %add3A_1037 : i32
      %dma_start3A_1039 = arith.constant 0 : i32
      %dma_start3A_1040 = arith.constant 0 : i32
      %dma_start3A_1041 = tpu.memref_slice %arg8[%dma_start3A_1039, %dma_start3A_1040] : memref<400x64xf32, #tpu.memory_space<vmem>> -> memref<200x64xf32, #tpu.memory_space<vmem>>
      %dma_start3A_1042 = arith.constant 0 : i32
      %dma_start3A_1043 = arith.constant 0 : i32
      %dma_start3A_1044 = tpu.memref_slice %arg4[%add3A_1038, %dma_start3A_1042, %dma_start3A_1043] : memref<1024x200x64xf32, #tpu.memory_space<hbm>> -> memref<1x200x64xf32, #tpu.memory_space<hbm>>
      %dma_start3A_1045 = tpu.memref_squeeze %dma_start3A_1044 : memref<1x200x64xf32, #tpu.memory_space<hbm>> -> memref<200x64xf32, #tpu.memory_space<hbm>>
      %dma_start3A_1046 = arith.constant 0 : i32
      %dma_start3A_1047 = arith.constant 0 : i32
      %dma_start3A_1048 = tpu.memref_slice %arg4[%add3A_1038, %dma_start3A_1046, %dma_start3A_1047] : memref<1024x200x64xf32, #tpu.memory_space<hbm>> -> memref<1x200x64xf32, #tpu.memory_space<hbm>>
      %dma_start3A_1049 = tpu.memref_squeeze %dma_start3A_1048 : memref<1x200x64xf32, #tpu.memory_space<hbm>> -> memref<200x64xf32, #tpu.memory_space<hbm>>
      %dma_start3A_1050 = arith.constant 0 : i32
      %dma_start3A_1051 = arith.constant 0 : i32
      %dma_start3A_1052 = tpu.memref_slice %arg8[%dma_start3A_1050, %dma_start3A_1051] : memref<400x64xf32, #tpu.memory_space<vmem>> -> memref<200x64xf32, #tpu.memory_space<vmem>>
      tpu.enqueue_dma source(%dma_start3A_1052 : memref<200x64xf32, #tpu.memory_space<vmem>>) target(%dma_start3A_1049 : memref<200x64xf32, #tpu.memory_space<hbm>>) target_semaphore(%arg15 : memref<!tpu.dma_semaphore, #tpu.memory_space<semaphore_mem>>)
      %add3A_1053 = arith.constant 1 : i32
      %add3A_1054 = arith.addi %add3A_1036, %add3A_1053 : i32
      %dma_start3A_1055 = arith.constant 200 : i32
      %dma_start3A_1056 = arith.constant 0 : i32
      %dma_start3A_1057 = tpu.memref_slice %arg8[%dma_start3A_1055, %dma_start3A_1056] : memref<400x64xf32, #tpu.memory_space<vmem>> -> memref<200x64xf32, #tpu.memory_space<vmem>>
      %dma_start3A_1058 = arith.constant 0 : i32
      %dma_start3A_1059 = arith.constant 0 : i32
      %dma_start3A_1060 = tpu.memref_slice %arg4[%add3A_1054, %dma_start3A_1058, %dma_start3A_1059] : memref<1024x200x64xf32, #tpu.memory_space<hbm>> -> memref<1x200x64xf32, #tpu.memory_space<hbm>>
      %dma_start3A_1061 = tpu.memref_squeeze %dma_start3A_1060 : memref<1x200x64xf32, #tpu.memory_space<hbm>> -> memref<200x64xf32, #tpu.memory_space<hbm>>
      %dma_start3A_1062 = arith.constant 0 : i32
      %dma_start3A_1063 = arith.constant 0 : i32
      %dma_start3A_1064 = tpu.memref_slice %arg4[%add3A_1054, %dma_start3A_1062, %dma_start3A_1063] : memref<1024x200x64xf32, #tpu.memory_space<hbm>> -> memref<1x200x64xf32, #tpu.memory_space<hbm>>
      %dma_start3A_1065 = tpu.memref_squeeze %dma_start3A_1064 : memref<1x200x64xf32, #tpu.memory_space<hbm>> -> memref<200x64xf32, #tpu.memory_space<hbm>>
      %dma_start3A_1066 = arith.constant 200 : i32
      %dma_start3A_1067 = arith.constant 0 : i32
      %dma_start3A_1068 = tpu.memref_slice %arg8[%dma_start3A_1066, %dma_start3A_1067] : memref<400x64xf32, #tpu.memory_space<vmem>> -> memref<200x64xf32, #tpu.memory_space<vmem>>
      tpu.enqueue_dma source(%dma_start3A_1068 : memref<200x64xf32, #tpu.memory_space<vmem>>) target(%dma_start3A_1065 : memref<200x64xf32, #tpu.memory_space<hbm>>) target_semaphore(%arg15 : memref<!tpu.dma_semaphore, #tpu.memory_space<semaphore_mem>>)
    }
    %scan3A_751 = arith.constant 5 : i32
    %dma_wait3A_752 = arith.constant 0 : i32
    %dma_wait3A_753 = tpu.memref_slice %arg5[%dma_wait3A_752] : memref<6400xi32, #tpu.memory_space<vmem>> -> memref<400xi32, #tpu.memory_space<vmem>>
    %dma_wait3A_754 = arith.constant 0 : i32
    %dma_wait3A_755 = arith.constant 0 : i32
    %dma_wait3A_756 = tpu.memref_slice %arg3[%dma_wait3A_754, %dma_wait3A_755] : memref<1000000x64xf32, #tpu.memory_space<hbm>> -> memref<1000000x64xf32, #tpu.memory_space<hbm>>
    tpu.wait_indirect_dma semaphore(%arg10 : memref<!tpu.dma_semaphore, #tpu.memory_space<semaphore_mem>>) src(%dma_wait3A_756 : memref<1000000x64xf32, #tpu.memory_space<hbm>>) dst(%arg6 : memref<400x64xf32, #tpu.memory_space<vmem>>)
    %add3A_757 = arith.constant 30 : i32
    %add3A_758 = arith.addi %mul3A_2, %add3A_757 : i32
    %add3A_759 = arith.constant 0 : i32
    %add3A_760 = arith.addi %add3A_758, %add3A_759 : i32
    %dma_start3A_761 = arith.constant 0 : i32
    %dma_start3A_762 = arith.constant 0 : i32
    %dma_start3A_763 = tpu.memref_slice %arg6[%dma_start3A_761, %dma_start3A_762] : memref<400x64xf32, #tpu.memory_space<vmem>> -> memref<200x64xf32, #tpu.memory_space<vmem>>
    %dma_start3A_764 = arith.constant 0 : i32
    %dma_start3A_765 = arith.constant 0 : i32
    %dma_start3A_766 = tpu.memref_slice %arg4[%add3A_760, %dma_start3A_764, %dma_start3A_765] : memref<1024x200x64xf32, #tpu.memory_space<hbm>> -> memref<1x200x64xf32, #tpu.memory_space<hbm>>
    %dma_start3A_767 = tpu.memref_squeeze %dma_start3A_766 : memref<1x200x64xf32, #tpu.memory_space<hbm>> -> memref<200x64xf32, #tpu.memory_space<hbm>>
    %dma_start3A_768 = arith.constant 0 : i32
    %dma_start3A_769 = arith.constant 0 : i32
    %dma_start3A_770 = tpu.memref_slice %arg4[%add3A_760, %dma_start3A_768, %dma_start3A_769] : memref<1024x200x64xf32, #tpu.memory_space<hbm>> -> memref<1x200x64xf32, #tpu.memory_space<hbm>>
    %dma_start3A_771 = tpu.memref_squeeze %dma_start3A_770 : memref<1x200x64xf32, #tpu.memory_space<hbm>> -> memref<200x64xf32, #tpu.memory_space<hbm>>
    %dma_start3A_772 = arith.constant 0 : i32
    %dma_start3A_773 = arith.constant 0 : i32
    %dma_start3A_774 = tpu.memref_slice %arg6[%dma_start3A_772, %dma_start3A_773] : memref<400x64xf32, #tpu.memory_space<vmem>> -> memref<200x64xf32, #tpu.memory_space<vmem>>
    tpu.enqueue_dma source(%dma_start3A_774 : memref<200x64xf32, #tpu.memory_space<vmem>>) target(%dma_start3A_771 : memref<200x64xf32, #tpu.memory_space<hbm>>) target_semaphore(%arg13 : memref<!tpu.dma_semaphore, #tpu.memory_space<semaphore_mem>>)
    %add3A_775 = arith.constant 1 : i32
    %add3A_776 = arith.addi %add3A_758, %add3A_775 : i32
    %dma_start3A_777 = arith.constant 200 : i32
    %dma_start3A_778 = arith.constant 0 : i32
    %dma_start3A_779 = tpu.memref_slice %arg6[%dma_start3A_777, %dma_start3A_778] : memref<400x64xf32, #tpu.memory_space<vmem>> -> memref<200x64xf32, #tpu.memory_space<vmem>>
    %dma_start3A_780 = arith.constant 0 : i32
    %dma_start3A_781 = arith.constant 0 : i32
    %dma_start3A_782 = tpu.memref_slice %arg4[%add3A_776, %dma_start3A_780, %dma_start3A_781] : memref<1024x200x64xf32, #tpu.memory_space<hbm>> -> memref<1x200x64xf32, #tpu.memory_space<hbm>>
    %dma_start3A_783 = tpu.memref_squeeze %dma_start3A_782 : memref<1x200x64xf32, #tpu.memory_space<hbm>> -> memref<200x64xf32, #tpu.memory_space<hbm>>
    %dma_start3A_784 = arith.constant 0 : i32
    %dma_start3A_785 = arith.constant 0 : i32
    %dma_start3A_786 = tpu.memref_slice %arg4[%add3A_776, %dma_start3A_784, %dma_start3A_785] : memref<1024x200x64xf32, #tpu.memory_space<hbm>> -> memref<1x200x64xf32, #tpu.memory_space<hbm>>
    %dma_start3A_787 = tpu.memref_squeeze %dma_start3A_786 : memref<1x200x64xf32, #tpu.memory_space<hbm>> -> memref<200x64xf32, #tpu.memory_space<hbm>>
    %dma_start3A_788 = arith.constant 200 : i32
    %dma_start3A_789 = arith.constant 0 : i32
    %dma_start3A_790 = tpu.memref_slice %arg6[%dma_start3A_788, %dma_start3A_789] : memref<400x64xf32, #tpu.memory_space<vmem>> -> memref<200x64xf32, #tpu.memory_space<vmem>>
    tpu.enqueue_dma source(%dma_start3A_790 : memref<200x64xf32, #tpu.memory_space<vmem>>) target(%dma_start3A_787 : memref<200x64xf32, #tpu.memory_space<hbm>>) target_semaphore(%arg13 : memref<!tpu.dma_semaphore, #tpu.memory_space<semaphore_mem>>)
    %dma_wait3A_791 = arith.constant 0 : i32
    %dma_wait3A_792 = arith.constant 0 : i32
    %dma_wait3A_793 = arith.constant 0 : i32
    %dma_wait3A_794 = tpu.memref_slice %arg7[%dma_wait3A_792, %dma_wait3A_793] : memref<400x64xf32, #tpu.memory_space<vmem>> -> memref<200x64xf32, #tpu.memory_space<vmem>>
    %dma_wait3A_795 = arith.constant 0 : i32
    %dma_wait3A_796 = arith.constant 0 : i32
    %dma_wait3A_797 = tpu.memref_slice %arg4[%dma_wait3A_791, %dma_wait3A_795, %dma_wait3A_796] : memref<1024x200x64xf32, #tpu.memory_space<hbm>> -> memref<1x200x64xf32, #tpu.memory_space<hbm>>
    %dma_wait3A_798 = tpu.memref_squeeze %dma_wait3A_797 : memref<1x200x64xf32, #tpu.memory_space<hbm>> -> memref<200x64xf32, #tpu.memory_space<hbm>>
    %dma_wait3A_799 = arith.constant 0 : i32
    %dma_wait3A_800 = arith.constant 0 : i32
    %dma_wait3A_801 = tpu.memref_slice %arg4[%dma_wait3A_791, %dma_wait3A_799, %dma_wait3A_800] : memref<1024x200x64xf32, #tpu.memory_space<hbm>> -> memref<1x200x64xf32, #tpu.memory_space<hbm>>
    %dma_wait3A_802 = tpu.memref_squeeze %dma_wait3A_801 : memref<1x200x64xf32, #tpu.memory_space<hbm>> -> memref<200x64xf32, #tpu.memory_space<hbm>>
    %dma_wait3A_803 = arith.constant 0 : i32
    %dma_wait3A_804 = arith.constant 0 : i32
    %dma_wait3A_805 = tpu.memref_slice %arg7[%dma_wait3A_803, %dma_wait3A_804] : memref<400x64xf32, #tpu.memory_space<vmem>> -> memref<200x64xf32, #tpu.memory_space<vmem>>
    tpu.wait_dma2 semaphore(%arg14 : memref<!tpu.dma_semaphore, #tpu.memory_space<semaphore_mem>>) src(%dma_wait3A_805 : memref<200x64xf32, #tpu.memory_space<vmem>>) dst(%dma_wait3A_802 : memref<200x64xf32, #tpu.memory_space<hbm>>)
    %dma_wait3A_806 = arith.constant 0 : i32
    %dma_wait3A_807 = arith.constant 200 : i32
    %dma_wait3A_808 = arith.constant 0 : i32
    %dma_wait3A_809 = tpu.memref_slice %arg7[%dma_wait3A_807, %dma_wait3A_808] : memref<400x64xf32, #tpu.memory_space<vmem>> -> memref<200x64xf32, #tpu.memory_space<vmem>>
    %dma_wait3A_810 = arith.constant 0 : i32
    %dma_wait3A_811 = arith.constant 0 : i32
    %dma_wait3A_812 = tpu.memref_slice %arg4[%dma_wait3A_806, %dma_wait3A_810, %dma_wait3A_811] : memref<1024x200x64xf32, #tpu.memory_space<hbm>> -> memref<1x200x64xf32, #tpu.memory_space<hbm>>
    %dma_wait3A_813 = tpu.memref_squeeze %dma_wait3A_812 : memref<1x200x64xf32, #tpu.memory_space<hbm>> -> memref<200x64xf32, #tpu.memory_space<hbm>>
    %dma_wait3A_814 = arith.constant 0 : i32
    %dma_wait3A_815 = arith.constant 0 : i32
    %dma_wait3A_816 = tpu.memref_slice %arg4[%dma_wait3A_806, %dma_wait3A_814, %dma_wait3A_815] : memref<1024x200x64xf32, #tpu.memory_space<hbm>> -> memref<1x200x64xf32, #tpu.memory_space<hbm>>
    %dma_wait3A_817 = tpu.memref_squeeze %dma_wait3A_816 : memref<1x200x64xf32, #tpu.memory_space<hbm>> -> memref<200x64xf32, #tpu.memory_space<hbm>>
    %dma_wait3A_818 = arith.constant 200 : i32
    %dma_wait3A_819 = arith.constant 0 : i32
    %dma_wait3A_820 = tpu.memref_slice %arg7[%dma_wait3A_818, %dma_wait3A_819] : memref<400x64xf32, #tpu.memory_space<vmem>> -> memref<200x64xf32, #tpu.memory_space<vmem>>
    tpu.wait_dma2 semaphore(%arg14 : memref<!tpu.dma_semaphore, #tpu.memory_space<semaphore_mem>>) src(%dma_wait3A_820 : memref<200x64xf32, #tpu.memory_space<vmem>>) dst(%dma_wait3A_817 : memref<200x64xf32, #tpu.memory_space<hbm>>)
    %dma_wait3A_821 = arith.constant 0 : i32
    %dma_wait3A_822 = arith.constant 0 : i32
    %dma_wait3A_823 = arith.constant 0 : i32
    %dma_wait3A_824 = tpu.memref_slice %arg8[%dma_wait3A_822, %dma_wait3A_823] : memref<400x64xf32, #tpu.memory_space<vmem>> -> memref<200x64xf32, #tpu.memory_space<vmem>>
    %dma_wait3A_825 = arith.constant 0 : i32
    %dma_wait3A_826 = arith.constant 0 : i32
    %dma_wait3A_827 = tpu.memref_slice %arg4[%dma_wait3A_821, %dma_wait3A_825, %dma_wait3A_826] : memref<1024x200x64xf32, #tpu.memory_space<hbm>> -> memref<1x200x64xf32, #tpu.memory_space<hbm>>
    %dma_wait3A_828 = tpu.memref_squeeze %dma_wait3A_827 : memref<1x200x64xf32, #tpu.memory_space<hbm>> -> memref<200x64xf32, #tpu.memory_space<hbm>>
    %dma_wait3A_829 = arith.constant 0 : i32
    %dma_wait3A_830 = arith.constant 0 : i32
    %dma_wait3A_831 = tpu.memref_slice %arg4[%dma_wait3A_821, %dma_wait3A_829, %dma_wait3A_830] : memref<1024x200x64xf32, #tpu.memory_space<hbm>> -> memref<1x200x64xf32, #tpu.memory_space<hbm>>
    %dma_wait3A_832 = tpu.memref_squeeze %dma_wait3A_831 : memref<1x200x64xf32, #tpu.memory_space<hbm>> -> memref<200x64xf32, #tpu.memory_space<hbm>>
    %dma_wait3A_833 = arith.constant 0 : i32
    %dma_wait3A_834 = arith.constant 0 : i32
    %dma_wait3A_835 = tpu.memref_slice %arg8[%dma_wait3A_833, %dma_wait3A_834] : memref<400x64xf32, #tpu.memory_space<vmem>> -> memref<200x64xf32, #tpu.memory_space<vmem>>
    tpu.wait_dma2 semaphore(%arg15 : memref<!tpu.dma_semaphore, #tpu.memory_space<semaphore_mem>>) src(%dma_wait3A_835 : memref<200x64xf32, #tpu.memory_space<vmem>>) dst(%dma_wait3A_832 : memref<200x64xf32, #tpu.memory_space<hbm>>)
    %dma_wait3A_836 = arith.constant 0 : i32
    %dma_wait3A_837 = arith.constant 200 : i32
    %dma_wait3A_838 = arith.constant 0 : i32
    %dma_wait3A_839 = tpu.memref_slice %arg8[%dma_wait3A_837, %dma_wait3A_838] : memref<400x64xf32, #tpu.memory_space<vmem>> -> memref<200x64xf32, #tpu.memory_space<vmem>>
    %dma_wait3A_840 = arith.constant 0 : i32
    %dma_wait3A_841 = arith.constant 0 : i32
    %dma_wait3A_842 = tpu.memref_slice %arg4[%dma_wait3A_836, %dma_wait3A_840, %dma_wait3A_841] : memref<1024x200x64xf32, #tpu.memory_space<hbm>> -> memref<1x200x64xf32, #tpu.memory_space<hbm>>
    %dma_wait3A_843 = tpu.memref_squeeze %dma_wait3A_842 : memref<1x200x64xf32, #tpu.memory_space<hbm>> -> memref<200x64xf32, #tpu.memory_space<hbm>>
    %dma_wait3A_844 = arith.constant 0 : i32
    %dma_wait3A_845 = arith.constant 0 : i32
    %dma_wait3A_846 = tpu.memref_slice %arg4[%dma_wait3A_836, %dma_wait3A_844, %dma_wait3A_845] : memref<1024x200x64xf32, #tpu.memory_space<hbm>> -> memref<1x200x64xf32, #tpu.memory_space<hbm>>
    %dma_wait3A_847 = tpu.memref_squeeze %dma_wait3A_846 : memref<1x200x64xf32, #tpu.memory_space<hbm>> -> memref<200x64xf32, #tpu.memory_space<hbm>>
    %dma_wait3A_848 = arith.constant 200 : i32
    %dma_wait3A_849 = arith.constant 0 : i32
    %dma_wait3A_850 = tpu.memref_slice %arg8[%dma_wait3A_848, %dma_wait3A_849] : memref<400x64xf32, #tpu.memory_space<vmem>> -> memref<200x64xf32, #tpu.memory_space<vmem>>
    tpu.wait_dma2 semaphore(%arg15 : memref<!tpu.dma_semaphore, #tpu.memory_space<semaphore_mem>>) src(%dma_wait3A_850 : memref<200x64xf32, #tpu.memory_space<vmem>>) dst(%dma_wait3A_847 : memref<200x64xf32, #tpu.memory_space<hbm>>)
    %dma_wait3A_851 = arith.constant 0 : i32
    %dma_wait3A_852 = arith.constant 0 : i32
    %dma_wait3A_853 = arith.constant 0 : i32
    %dma_wait3A_854 = tpu.memref_slice %arg6[%dma_wait3A_852, %dma_wait3A_853] : memref<400x64xf32, #tpu.memory_space<vmem>> -> memref<200x64xf32, #tpu.memory_space<vmem>>
    %dma_wait3A_855 = arith.constant 0 : i32
    %dma_wait3A_856 = arith.constant 0 : i32
    %dma_wait3A_857 = tpu.memref_slice %arg4[%dma_wait3A_851, %dma_wait3A_855, %dma_wait3A_856] : memref<1024x200x64xf32, #tpu.memory_space<hbm>> -> memref<1x200x64xf32, #tpu.memory_space<hbm>>
    %dma_wait3A_858 = tpu.memref_squeeze %dma_wait3A_857 : memref<1x200x64xf32, #tpu.memory_space<hbm>> -> memref<200x64xf32, #tpu.memory_space<hbm>>
    %dma_wait3A_859 = arith.constant 0 : i32
    %dma_wait3A_860 = arith.constant 0 : i32
    %dma_wait3A_861 = tpu.memref_slice %arg4[%dma_wait3A_851, %dma_wait3A_859, %dma_wait3A_860] : memref<1024x200x64xf32, #tpu.memory_space<hbm>> -> memref<1x200x64xf32, #tpu.memory_space<hbm>>
    %dma_wait3A_862 = tpu.memref_squeeze %dma_wait3A_861 : memref<1x200x64xf32, #tpu.memory_space<hbm>> -> memref<200x64xf32, #tpu.memory_space<hbm>>
    %dma_wait3A_863 = arith.constant 0 : i32
    %dma_wait3A_864 = arith.constant 0 : i32
    %dma_wait3A_865 = tpu.memref_slice %arg6[%dma_wait3A_863, %dma_wait3A_864] : memref<400x64xf32, #tpu.memory_space<vmem>> -> memref<200x64xf32, #tpu.memory_space<vmem>>
    tpu.wait_dma2 semaphore(%arg13 : memref<!tpu.dma_semaphore, #tpu.memory_space<semaphore_mem>>) src(%dma_wait3A_865 : memref<200x64xf32, #tpu.memory_space<vmem>>) dst(%dma_wait3A_862 : memref<200x64xf32, #tpu.memory_space<hbm>>)
    %dma_wait3A_866 = arith.constant 0 : i32
    %dma_wait3A_867 = arith.constant 200 : i32
    %dma_wait3A_868 = arith.constant 0 : i32
    %dma_wait3A_869 = tpu.memref_slice %arg6[%dma_wait3A_867, %dma_wait3A_868] : memref<400x64xf32, #tpu.memory_space<vmem>> -> memref<200x64xf32, #tpu.memory_space<vmem>>
    %dma_wait3A_870 = arith.constant 0 : i32
    %dma_wait3A_871 = arith.constant 0 : i32
    %dma_wait3A_872 = tpu.memref_slice %arg4[%dma_wait3A_866, %dma_wait3A_870, %dma_wait3A_871] : memref<1024x200x64xf32, #tpu.memory_space<hbm>> -> memref<1x200x64xf32, #tpu.memory_space<hbm>>
    %dma_wait3A_873 = tpu.memref_squeeze %dma_wait3A_872 : memref<1x200x64xf32, #tpu.memory_space<hbm>> -> memref<200x64xf32, #tpu.memory_space<hbm>>
    %dma_wait3A_874 = arith.constant 0 : i32
    %dma_wait3A_875 = arith.constant 0 : i32
    %dma_wait3A_876 = tpu.memref_slice %arg4[%dma_wait3A_866, %dma_wait3A_874, %dma_wait3A_875] : memref<1024x200x64xf32, #tpu.memory_space<hbm>> -> memref<1x200x64xf32, #tpu.memory_space<hbm>>
    %dma_wait3A_877 = tpu.memref_squeeze %dma_wait3A_876 : memref<1x200x64xf32, #tpu.memory_space<hbm>> -> memref<200x64xf32, #tpu.memory_space<hbm>>
    %dma_wait3A_878 = arith.constant 200 : i32
    %dma_wait3A_879 = arith.constant 0 : i32
    %dma_wait3A_880 = tpu.memref_slice %arg6[%dma_wait3A_878, %dma_wait3A_879] : memref<400x64xf32, #tpu.memory_space<vmem>> -> memref<200x64xf32, #tpu.memory_space<vmem>>
    tpu.wait_dma2 semaphore(%arg13 : memref<!tpu.dma_semaphore, #tpu.memory_space<semaphore_mem>>) src(%dma_wait3A_880 : memref<200x64xf32, #tpu.memory_space<vmem>>) dst(%dma_wait3A_877 : memref<200x64xf32, #tpu.memory_space<hbm>>)
    return
  }
}

</mosaic_0001>

<sc_bundles>
// kernel: kernel.3.cloned.1.call-start
scs
__scs_entry_jumppad:
0x0: {  	(pc) =	sbr.rel $0x88, $3  }
0x1: {  	(tag) =	ssettag $0x0;
	lr =	simm.s32 $0x1  }
0x2: {  	[smem:$0x3F9C] =	sst lr;
	_ =	strace $0xD0000000  }
0x3: {  	_ = 	snop  }
0x4: {  	_ = 	snop  }
0x5: {  	_ = 	snop  }
0x6: {  	_ = 	snop  }
0x7: {  	_ = 	snop  }
__scs_overlays_trampoline_lowered:
0x8: {  	[smem:$0x3FAB] =	sst s0  }
0x9: {  	[smem:$0x3FAC] =	sst s1  }
0xa: {  	[smem:$0x3FAD] =	sst s2  }
0xb: {  	[smem:$0x3FAE] =	sst s3  }
0xc: {  	[smem:$0x3FAF] =	sst s4  }
0xd: {  	[smem:$0x3FB0] =	sst s5  }
0xe: {  	[smem:$0x3FB1] =	sst s6  }
0xf: {  	[smem:$0x3FB2] =	sst s7  }
0x10: {  	[smem:$0x3FB3] =	sst s8  }
0x11: {  	[smem:$0x3FB4] =	sst s9;
	s0 =	simm.s32 @!p0 $0x0  }
0x12: {  	s1 =	sld [smem:$0x3F9A];
	s0 =	simm.s32 @p0 $0x1  }
0x13: {  	[smem:$0x3FB5] =	sst s0;
	s0 =	simm.s32 @!p1 $0x0  }
0x14: {  	s2 =	sld [smem:$0x3F99];
	s0 =	simm.s32 @p1 $0x1  }
0x15: {  	[smem:$0x3FB6] =	sst s0;
	s0 =	simm.s32 @!p2 $0x0  }
0x16: {  	s3 =	sld [smem:$0x3FDB];
	s0 =	simm.s32 @p2 $0x1  }
0x17: {  	s4 =	simm.s32 $0x1BF5;
	[smem:$0x3FB8] =	sst s0  }
0x18: {  	s0 =	sld [smem:$0x3F9B];
	_ =	swait.ge [sflag:s4], $0x0  }
0x19: {  	s7 =	sld [smem:$0x3F9C]  }
0x1a: {  	s8 =	sadd.s32 $0xFFFFE003, lr  }
0x1b: {  	s9 =	sadd.s32 $0xFFFFFEF7, lr;
	s5 =	simm.s32 $0xFFFFFFFF;
	p2 =	slt.u32 s8, $0xFFFFF086  }
0x1c: {  	p1 =	slt.u32 s9, $0xF7A;
	s5 =	simm.s32 @!p2 $0x0  }
0x1d: {  	s5 =	simm.s32 @p1 $0x1;
	p0 =	seq.s32 s7, s2  }
0x1e: {  	s7 =	smul.u32 @!p0 $0xF7A, s2;
	p2 =	seq.s32 @!p0 s5, $0x0  }
0x1f: {  	s9 =	smul.u32 $0xF7A, s1;
	s8 =	simm.s32 @!p0 $0x1BF5;
	p2 =	por !p2, p0  }
0x20: {  	[sflag:s8] =	ssyncset.s32 @!p0 $0xFFFFF086;
	s6 =	sadd.s32 @!p0 s3, s7;
	s7 =	simm.s32 @!p0 $0x108  }
0x21: {  	s3 =	sadd.s32 s3, s9;
	s6 =	sadd.s32 @!p0 $0x88, s6;
	s7 =	simm.s32 @p2 $0x1082  }
0x22: {  	[simem:s7], [sflag:s8] =	dma.local @!p0 [hbm:s6], $0xF7A  }
0x23: {  	s9 =	sor.u32 $0xD0000000, s2;
	s6 =	simm.s32 $0x108;
	_ =	swait.ge @!p0 [sflag:s8], $0x0  }
0x24: {  	s3 =	sadd.s32 $0x88, s3;
	s6 =	simm.s32 @!p1 $0x1082;
	[sflag:s4] =	ssyncset.s32 $0xFFFFF086  }
0x25: {  	[simem:s6], [sflag:s4] =	dma.local [hbm:s3], $0xF7A  }
0x26: {  	[smem:$0x3F9C] =	sst s1;
	(tag) =	ssettag s2;
	_ =	strace s9  }
0x27: {  	s1 =	sld [smem:$0x3FAC]  }
0x28: {  	s2 =	sld [smem:$0x3FAD]  }
0x29: {  	s4 =	sld [smem:$0x3FAF]  }
0x2a: {  	p0 =	seq.s32 s5, $0x0;
	s5 =	sld [smem:$0x3FB0]  }
0x2b: {  	s6 =	sld [smem:$0x3FB1]  }
0x2c: {  	s7 =	sld [smem:$0x3FB2]  }
0x2d: {  	s3 =	simm.s32 $0x108;
	s8 =	sld [smem:$0x3FB3]  }
0x2e: {  	s3 =	simm.s32 @!p0 $0x1082;
	s9 =	sld [smem:$0x3FB4]  }
0x2f: {  	lr =	sadd.s32 s0, s3;
	s0 =	sld [smem:$0x3FAB]  }
0x30: {  	s3 =	sld [smem:$0x3FAE]  }
0x31: {  	[smem:$0x3FB7] =	sst s10  }
0x32: {  	s10 =	sld [smem:$0x3FB5];
	_ =	sdelay $0x3  }
0x33: {  	p0 =	seq.s32 s10, $0x1;
	s10 =	sld [smem:$0x3FB7];
	_ =	sdelay $0x3  }
0x34: {  	[smem:$0x3FB7] =	sst s10  }
0x35: {  	s10 =	sld [smem:$0x3FB6];
	_ =	sdelay $0x3  }
0x36: {  	p1 =	seq.s32 s10, $0x1;
	s10 =	sld [smem:$0x3FB7];
	_ =	sdelay $0x3  }
0x37: {  	[smem:$0x3FB7] =	sst s10  }
0x38: {  	s10 =	sld [smem:$0x3FB8]  }
0x39: {  	_ = 	snop;
	(pc) =	sbr.ind lr, $3  }
0x3a: {  	_ = 	snop  }
0x3b: {  	_ = 	snop  }
0x3c: {  	p2 =	seq.s32 s10, $0x1;
	s10 =	sld [smem:$0x3FB7]  }
0x3d: {  	_ =	shalt  }
0x3e: {  	_ =	shalt  }
0x3f: {  	_ =	shalt  }
0x40: {  	_ =	shalt  }
0x41: {  	_ =	shalt  }
0x42: {  	_ =	shalt  }
0x43: {  	_ =	shalt  }
0x44: {  	_ =	shalt  }
0x45: {  	_ =	shalt  }
0x46: {  	_ =	shalt  }
0x47: {  	_ =	shalt  }
0x48: {  	_ =	shalt  }
0x49: {  	_ =	shalt  }
0x4a: {  	_ =	shalt  }
0x4b: {  	_ =	shalt  }
0x4c: {  	_ =	shalt  }
0x4d: {  	_ =	shalt  }
0x4e: {  	_ =	shalt  }
0x4f: {  	_ =	shalt  }
0x50: {  	_ =	shalt  }
0x51: {  	_ =	shalt  }
0x52: {  	_ =	shalt  }
0x53: {  	_ =	shalt  }
0x54: {  	_ =	shalt  }
0x55: {  	_ =	shalt  }
0x56: {  	_ =	shalt  }
0x57: {  	_ =	shalt  }
0x58: {  	_ =	shalt  }
0x59: {  	_ =	shalt  }
0x5a: {  	_ =	shalt  }
0x5b: {  	_ =	shalt  }
0x5c: {  	_ =	shalt  }
0x5d: {  	_ =	shalt  }
0x5e: {  	_ =	shalt  }
0x5f: {  	_ =	shalt  }
0x60: {  	_ =	shalt  }
0x61: {  	_ =	shalt  }
0x62: {  	_ =	shalt  }
0x63: {  	_ =	shalt  }
0x64: {  	_ =	shalt  }
0x65: {  	_ =	shalt  }
0x66: {  	_ =	shalt  }
0x67: {  	_ =	shalt  }
0x68: {  	_ =	shalt  }
0x69: {  	_ =	shalt  }
0x6a: {  	_ =	shalt  }
0x6b: {  	_ =	shalt  }
0x6c: {  	_ =	shalt  }
0x6d: {  	_ =	shalt  }
0x6e: {  	_ =	shalt  }
0x6f: {  	_ =	shalt  }
0x70: {  	_ =	shalt  }
0x71: {  	_ =	shalt  }
0x72: {  	_ =	shalt  }
0x73: {  	_ =	shalt  }
0x74: {  	_ =	shalt  }
0x75: {  	_ =	shalt  }
0x76: {  	_ =	shalt  }
0x77: {  	_ =	shalt  }
0x78: {  	_ =	shalt  }
0x79: {  	_ =	shalt  }
0x7a: {  	_ =	shalt  }
0x7b: {  	_ =	shalt  }
0x7c: {  	_ =	shalt  }
0x7d: {  	_ =	shalt  }
0x7e: {  	_ =	shalt  }
0x7f: {  	_ =	shalt  }
0x80: {  	_ =	shalt  }
0x81: {  	_ =	shalt  }
0x82: {  	_ =	shalt  }
0x83: {  	_ =	shalt  }
0x84: {  	_ =	shalt  }
0x85: {  	_ =	shalt  }
0x86: {  	_ =	shalt  }
0x87: {  	_ =	shalt  }
.Lfunc_end0:
.L_simem_size_0:
called_computation.1_lowered:
.L_overlay_start_0:
0x88: {  	s2 =	sld [smem:$0x3FD9]  }
0x89: {  	s3 =	sld [smem:$0x3FFE];
	_ =	sdelay $0x1  }
0x8a: {  	s1 =	srdreg.scid  }
0x8b: {  	s0 =	sand.u32 $0x1, s1  }
0x8c: {  	s17 =	sshll.u32 s0, $0xA;
	s2 =	sadd.s32 s3, s2  }
0x8d: {  	s2 =	sadd.s32 s2, s17  }
0x8e: {  	[smem:$0x3FC3] =	sst s2  }
0x8f: {  	_ = 	snop  }
0x90: {  	s2 =	sld [smem:$0x3FD0];
	(tm) =	ssettm $0x1  }
0x91: {  	s18 =	sld [smem:$0x3FFB];
	_ =	sdelay $0x3  }
0x92: {  	_ =	strace s18  }
0x93: {  	s3 =	sld [smem:$0x3FFC];
	_ =	sdelay $0x3  }
0x94: {  	_ =	strace s3  }
0x95: {  	s3 =	sld [smem:$0x3FFD];
	_ =	sdelay $0x3  }
0x96: {  	_ =	strace s3  }
0x97: {  	_ =	strace $0x8FFFFFFF  }
0x98: {  	s19 =	sld [smem:$0x3FDB];
	_ =	sdelay $0x1  }
0x99: {  	s4 =	simm.s32 $_scs_section_size  }
0x9a: {  	s5 =	simm.s32 $_size__tile_overlayer_lowered;
	s6 =	simm.s32 $_tile_overlayer_lowered  }
0x9b: {  	s22 =	simm.s32 $0x1BFF;
	s21 =	sshll.u32 s6, $0x1;
	s3 =	sadd.s32 s4, s19  }
0x9c: {  	s7 =	simm.s32 $0x0;
	s20 =	sshll.u32 s5, $0x1;
	s5 =	sadd.s32 s21, s3  }
0x9d: {  	[timem:s7], [sflag:s22] =	dma.local [hbm:s5], s20  }
0x9e: {  	_ =	swait.ge [sflag:s22], s20  }
0x9f: {  	s4 =	ssub.s32 $0x0, s20;
	[sflag:s22] =	ssyncset.done $0x0  }
0xa0: {  	[sflag:s22] =	ssyncadd.s32 s4;
	_ =	sdelay $0x1  }
0xa1: {  	s23 =	simm.s32 $0x1B8B  }
0xa2: {  	_ =	swait.ge [sflag:s23], $0x1  }
0xa3: {  	[sflag:s23] =	ssyncset.done $0x0  }
0xa4: {  	s25 =	simm.s32 $0x1B8E;
	s24 =	sld [smem:$0x3FFE];
	[sflag:s23] =	ssyncadd.s32 $0xFFFFFFFF  }
0xa5: {  	s26 =	simm.s32 $execute0_lowered;
	[smem:$0x3FD2] =	sst s25  }
0xa6: {  	s5 =	sshll.u32 s26, $0x1;
	_ =	strace $0x80000046;
	[dreg:$0x1] =	wrdreg $0xFFFFFFFF  }
0xa7: {  	s28 =	simm.s32 $_size_execute0_lowered;
	s3 =	sadd.s32 s3, s5;
	[dreg:$0x0] =	wrdreg $0x0  }
0xa8: {  	s5 =	sshll.u32 s28, $0x1;
	[dreg:$0x2] =	wrdreg s3  }
0xa9: {  	[dreg:$0x3] =	wrdreg s5  }
0xaa: {  	[dreg:$0x4] =	wrdreg $0xC0  }
0xab: {  	_ =	task [dreg:s7], $0x5FFFF  }
0xac: {  	[dreg:$0x1] =	wrdreg $0xFFFFFFFF  }
0xad: {  	[dreg:$0x0] =	wrdreg $0x60  }
0xae: {  	[dreg:$0x2] =	wrdreg s24  }
0xaf: {  	[dreg:$0x3] =	wrdreg s2  }
0xb0: {  	[dreg:$0x4] =	wrdreg $0x9  }
0xb1: {  	_ =	task.clear_ibuf [dreg:s7], $0x5FFFF;
	_ =	strace $0x90000046  }
0xb2: {  	s29 =	simm.s32 $0x9;
	_ =	strace $0x80000048  }
0xb3: {  	_ =	swait.ge [sflag:s29], $0x1  }
0xb4: {  	[sflag:s29] =	ssyncadd.s32 $0xFFFFFFFF  }
0xb5: {  	_ =	strace $0x90000048  }
0xb6: {  	_ =	sfence  }
0xb7: {  	s30 =	sld [smem:$0x0];
	_ =	sdelay $0x2  }
0xb8: {  	s31 =	sshll.u32 s1, $0xD;
	s1 =	sshrl.u32 s1, $0x2  }
0xb9: {  	s3 =	sand.u32 $0x4000, s31;
	s1 =	sadd.s32 s1, s30  }
0xba: {  	s0 =	sor.u32 s3, s0;
	s1 =	sshll.u32 s1, $0x11  }
0xbb: {  	s0 =	sor.u32 s1, s0  }
0xbc: {  	s0 =	sadd.s32 $0x8F2B, s0  }
0xbd: {  	[sflag:s0] =	ssyncadd.remote.s32 $0x1  }
0xbe: {  	_ =	sfence.sel $0xFFFF  }
0xbf: {  	[dreg:$0x0] =	wrdreg $0xFFFFFFFF;
	(pc) =	sbr.abs _section_cstart, $3  }
0xc0: {  	[dreg:$0x1] =	wrdreg $0xFFFFFFFF  }
0xc1: {  	_ =	task.clear_ibuf [dreg:s7], $0x2FFFF;
	_ =	strace $0x9FFFFFFF  }
0xc2: {  	(tm) =	ssettm $0x7FFFFFFF  }
0xc3: {  	_ =	shalt  }
tec
execute0_lowered:
.L_overlay_start_1:
0x0: {  	(tag) =	ssettag $0x1  }
0x1: {  	s1 =	srdreg.scid  }
0x2: {  	s0 =	rddreg [dreg:$0x0];
	s14 =	stileid.u32  }
0x3: {  	s3 =	rddreg [dreg:$0x1];
	s2 =	simm.s32 $0x0;
	s6 =	sand.u32 $0x1, s1  }
0x4: {  	s28 =	simm.s32 $0x11300;
	s18 =	sshll.u32 s14, $0x6;
	s4 =	sshll.u32 s6, $0x5  }
0x5: {  	s29 =	simm.s32 $0x6;
	s30 =	simm.s32 $0x7;
	s7 =	sor.u32 s4, s18  }
0x6: {  	s31 =	simm.s32 $0x0;
	s19 =	ssub.s32 $0x2, s6;
	s4 =	smul.u32 $0x19, s7  }
0x7: {  	[smem:$0x7FF] =	sst s2;
	s8 =	sshrl.u32 s19, $0x1;
	s9 =	smul.u32 $0xC8, s7  }
0x8: {  	s5 =	sadd.s32 $0x1400, s0;
	_ =	strace $0x80000047;
	s1 =	ssub.s32 s19, s8  }
0x9: {  	s15 =	sadd.s32 s5, s4;
	s20 =	sshrl.u32 s9, $0x3;
	s21 =	sadd.s32 $0x258, s9  }
0xa: {  	s10 =	sadd.s32 $0x3E8, s9;
	s23 =	sadd.s32 $0x578, s9;
	s24 =	sadd.s32 $0x708, s9  }
0xb: {  	s11 =	sadd.s32 $0x898, s9;
	s12 =	sadd.s32 $0xA28, s9;
	s13 =	sadd.s32 $0xBB8, s9  }
0xc: {  	s16 =	sadd.s32 $0xD48, s9;
	s4 =	sadd.s32 s5, s20;
	s8 =	sshrl.u32 s21, $0x3  }
0xd: {  	s10 =	sshrl.u32 s10, $0x3;
	s25 =	sshrl.u32 s24, $0x3;
	s26 =	sshrl.u32 s11, $0x3  }
0xe: {  	s17 =	sshrl.u32 s13, $0x3;
	s18 =	sshrl.u32 s16, $0x3;
	s24 =	smul.u32 $0xC800, s6  }
0xf: {  	s20 =	sadd.s32 $0xED8, s9;
	s21 =	sadd.s32 $0x1068, s9;
	s6 =	smul.u32 $0x64000, s6  }
0x10: {  	s8 =	sadd.s32 s5, s8;
	s22 =	sadd.s32 s5, s10;
	s11 =	sadd.s32 s5, s26  }
0x11: {  	s19 =	sadd.s32 s5, s18;
	s26 =	sor.u32 $0x1E, s7;
	[dreg:$0x4] =	wrdreg s8  }
0x12: {  	s7 =	sor.u32 $0x1F, s7;
	[dreg:$0x5] =	wrdreg s22;
	s22 =	smul.u32 $0x19000, s14  }
0x13: {  	s18 =	sadd.s32 $0x1518, s9;
	[dreg:$0x8] =	wrdreg s11;
	s13 =	smul.u32 $0x19, s26  }
0x14: {  	s8 =	sshrl.u32 s23, $0x3;
	[dreg:$0xb] =	wrdreg s19;
	s19 =	smul.u32 $0x19, s7  }
0x15: {  	s23 =	sshrl.u32 s21, $0x3;
	s7 =	smul.u32 $0x640, s7;
	s8 =	sadd.s32 s5, s8  }
0x16: {  	[dreg:$0x6] =	wrdreg s8;
	s8 =	sadd.s32 s5, s25;
	s25 =	sadd.s32 $0x11F8, s9  }
0x17: {  	s11 =	sadd.s32 s22, s3;
	s21 =	sadd.s32 s5, s13;
	[dreg:$0x7] =	wrdreg s8  }
0x18: {  	s13 =	sadd.s32 $0xFA, s4;
	s8 =	sshrl.u32 s12, $0x3;
	[dreg:$0x12] =	wrdreg s21  }
0x19: {  	s12 =	sadd.s32 $0x1388, s9;
	s10 =	sadd.s32 s24, s11;
	[dreg:$0x1a] =	wrdreg s13  }
0x1a: {  	s11 =	sshrl.u32 s18, $0x3;
	s24 =	sadd.s32 s3, s7;
	[dreg:$0x3] =	wrdreg s10  }
0x1b: {  	s9 =	sadd.s32 $0x16A8, s9;
	s18 =	sadd.s32 $0x1C2, s4;
	[dreg:$0x15] =	wrdreg s24  }
0x1c: {  	s21 =	sadd.s32 $0x258, s4;
	s13 =	simm.s32 $0x1;
	[dreg:$0x1e] =	wrdreg s18  }
0x1d: {  	s8 =	sadd.s32 s5, s8;
	s12 =	sshrl.u32 s12, $0x3;
	[smem:$0x7FC] =	sst s21  }
0x1e: {  	s11 =	sadd.s32 s5, s11;
	s9 =	sshrl.u32 s9, $0x3;
	[dreg:$0x9] =	wrdreg s8  }
0x1f: {  	s10 =	sadd.s32 $0x64, s4;
	s18 =	simm.s32 $0x4B00;
	[dreg:$0x10] =	wrdreg s11  }
0x20: {  	s21 =	simm.s32 $0xAF00;
	s8 =	sadd.s32 s5, s17;
	[dreg:$0x17] =	wrdreg s10  }
0x21: {  	s16 =	sadd.s32 s5, s12;
	s17 =	smul.u32 $0x640, s26;
	[dreg:$0xa] =	wrdreg s8  }
0x22: {  	s9 =	sadd.s32 s5, s9;
	s11 =	sadd.s32 $0x96, s4;
	[dreg:$0xf] =	wrdreg s16  }
0x23: {  	s12 =	sadd.s32 $0xC8, s4;
	s10 =	smax.u32 s1, $0x1;
	[dreg:$0x11] =	wrdreg s9  }
0x24: {  	s8 =	sshrl.u32 s20, $0x3;
	s20 =	smul.u32 $0xC8000, s14;
	[dreg:$0x18] =	wrdreg s11  }
0x25: {  	s9 =	sadd.s32 $0x32, s4;
	[dreg:$0x19] =	wrdreg s12;
	s14 =	sadd.s32 $0x12C, s4  }
0x26: {  	s16 =	sadd.s32 $0x15E, s4;
	s11 =	sadd.s32 $0x19, s15;
	[dreg:$0x16] =	wrdreg s9  }
0x27: {  	s12 =	simm.s32 $0x190;
	s8 =	sadd.s32 s5, s8;
	[dreg:$0x1b] =	wrdreg s14  }
0x28: {  	[dreg:$0x1c] =	wrdreg s16;
	s9 =	sadd.s32 $0x2BC, s4;
	s14 =	simm.s32 $0x1900  }
0x29: {  	s16 =	simm.s32 $0x2;
	[dreg:$0xc] =	wrdreg s8;
	s8 =	sadd.s32 s5, s23  }
0x2a: {  	s22 =	sadd.s32 s6, s20;
	s23 =	sadd.s32 s3, s17;
	[dreg:$0xd] =	wrdreg s8  }
0x2b: {  	s17 =	sadd.s32 $0x190, s4;
	s20 =	sadd.s32 $0x226, s4;
	[dreg:$0x14] =	wrdreg s23  }
0x2c: {  	s8 =	sshrl.u32 s25, $0x3;
	s25 =	sadd.s32 $0x9600, s22;
	[dreg:$0x1d] =	wrdreg s17  }
0x2d: {  	s26 =	sor.u32 $0x3200, s22;
	[smem:$0x7FB] =	sst s20;
	s17 =	simm.s32 $0xE100  }
0x2e: {  	s20 =	simm.s32 $0x5;
	s8 =	sadd.s32 s5, s8;
	s5 =	sadd.s32 s5, s19  }
0x2f: {  	s6 =	sshrl.u32 s25, $0x3;
	s25 =	sadd.s32 $0xF43800, s0;
	[dreg:$0xe] =	wrdreg s8  }
0x30: {  	s19 =	sadd.s32 $0x1F4, s4;
	[dreg:$0x13] =	wrdreg s5;
	s5 =	sadd.s32 $0xFA00, s22  }
0x31: {  	s22 =	sadd.s32 s6, s3;
	s8 =	sshrl.u32 s26, $0x3;
	[dreg:$0x1f] =	wrdreg s19  }
0x32: {  	s26 =	sadd.s32 $0x28A, s4;
	s19 =	simm.s32 $0x3;
	s5 =	sshrl.u32 s5, $0x3  }
0x33: {  	s23 =	sadd.s32 s8, s3;
	[smem:$0x7FD] =	sst s26;
	s8 =	smov.u32 s15  }
0x34: {  	s15 =	simm.s32 $0x7D00;
	s26 =	simm.s32 $0x4;
	s24 =	sadd.s32 s5, s3  }
.LBB2_1:
0x35: {  	[tilespmem:s2], [sflag:$0x1] =	stream.linear.gather [hbm4b:s8+s2], $0xC8, $0x38;
	[tilespmem:$0x14500] =	vst v63  }
0x36: {  	s0 =	simm.s32 $0xC8;
	s1 =	rddreg [dreg:$0x16]  }
0x37: {  	[tilespmem:s0], [sflag:$0x1] =	stream.linear.gather [hbm4b:s11+s2], $0xC8, $0x38;
	[tilespmem:$0x14500] =	vst v63  }
0x38: {  	s3 =	rddreg [dreg:$0x4]  }
0x39: {  	[tilespmem:s12], [sflag:$0x1] =	stream.linear.gather [hbm4b:s1+s2], $0xC8, $0x38;
	[tilespmem:$0x14500] =	vst v63  }
0x3a: {  	s4 =	rddreg [dreg:$0x17];
	s1 =	simm.s32 $0x258  }
0x3b: {  	[tilespmem:s1], [sflag:$0x1] =	stream.linear.gather [hbm4b:s3+s2], $0xC8, $0x38;
	[tilespmem:$0x14500] =	vst v63  }
0x3c: {  	s5 =	rddreg [dreg:$0x5];
	s1 =	simm.s32 $0x320  }
0x3d: {  	[tilespmem:s1], [sflag:$0x1] =	stream.linear.gather [hbm4b:s4+s2], $0xC8, $0x38;
	[tilespmem:$0x14500] =	vst v63  }
0x3e: {  	s6 =	rddreg [dreg:$0x18];
	s3 =	simm.s32 $0x3E8  }
0x3f: {  	[tilespmem:s3], [sflag:$0x1] =	stream.linear.gather [hbm4b:s5+s2], $0xC8, $0x38;
	[tilespmem:$0x14500] =	vst v63  }
0x40: {  	s7 =	simm.s32 $0x4B0;
	s4 =	rddreg [dreg:$0x6]  }
0x41: {  	[tilespmem:s7], [sflag:$0x1] =	stream.linear.gather [hbm4b:s6+s2], $0xC8, $0x38;
	[tilespmem:$0x14500] =	vst v63  }
0x42: {  	s5 =	simm.s32 $0x578;
	s6 =	rddreg [dreg:$0x19]  }
0x43: {  	[tilespmem:s5], [sflag:$0x1] =	stream.linear.gather [hbm4b:s4+s2], $0xC8, $0x38;
	[tilespmem:$0x14500] =	vst v63  }
0x44: {  	s7 =	simm.s32 $0x640;
	s4 =	rddreg [dreg:$0x7]  }
0x45: {  	[tilespmem:s7], [sflag:$0x1] =	stream.linear.gather [hbm4b:s6+s2], $0xC8, $0x38;
	[tilespmem:$0x14500] =	vst v63  }
0x46: {  	s5 =	simm.s32 $0x708;
	s6 =	rddreg [dreg:$0x1a]  }
0x47: {  	[tilespmem:s5], [sflag:$0x1] =	stream.linear.gather [hbm4b:s4+s2], $0xC8, $0x38;
	[tilespmem:$0x14500] =	vst v63  }
0x48: {  	s7 =	simm.s32 $0x7D0;
	s4 =	rddreg [dreg:$0x8]  }
0x49: {  	[tilespmem:s7], [sflag:$0x1] =	stream.linear.gather [hbm4b:s6+s2], $0xC8, $0x38;
	[tilespmem:$0x14500] =	vst v63  }
0x4a: {  	s5 =	simm.s32 $0x898;
	s6 =	rddreg [dreg:$0x1b]  }
0x4b: {  	[tilespmem:s5], [sflag:$0x1] =	stream.linear.gather [hbm4b:s4+s2], $0xC8, $0x38;
	[tilespmem:$0x14500] =	vst v63  }
0x4c: {  	s7 =	simm.s32 $0x960;
	s4 =	rddreg [dreg:$0x9]  }
0x4d: {  	[tilespmem:s7], [sflag:$0x1] =	stream.linear.gather [hbm4b:s6+s2], $0xC8, $0x38;
	[tilespmem:$0x14500] =	vst v63  }
0x4e: {  	s5 =	simm.s32 $0xA28;
	s6 =	rddreg [dreg:$0x1c]  }
0x4f: {  	[tilespmem:s5], [sflag:$0x1] =	stream.linear.gather [hbm4b:s4+s2], $0xC8, $0x38;
	[tilespmem:$0x14500] =	vst v63  }
0x50: {  	s7 =	simm.s32 $0xAF0;
	s4 =	rddreg [dreg:$0xa]  }
0x51: {  	[tilespmem:s7], [sflag:$0x1] =	stream.linear.gather [hbm4b:s6+s2], $0xC8, $0x38;
	[tilespmem:$0x14500] =	vst v63  }
0x52: {  	s5 =	simm.s32 $0xBB8;
	s6 =	rddreg [dreg:$0x1d]  }
0x53: {  	[tilespmem:s5], [sflag:$0x1] =	stream.linear.gather [hbm4b:s4+s2], $0xC8, $0x38;
	[tilespmem:$0x14500] =	vst v63  }
0x54: {  	s7 =	simm.s32 $0xC80;
	s4 =	rddreg [dreg:$0xb]  }
0x55: {  	[tilespmem:s7], [sflag:$0x1] =	stream.linear.gather [hbm4b:s6+s2], $0xC8, $0x38;
	[tilespmem:$0x14500] =	vst v63  }
0x56: {  	s5 =	simm.s32 $0xD48;
	s6 =	rddreg [dreg:$0x1e]  }
0x57: {  	[tilespmem:s5], [sflag:$0x1] =	stream.linear.gather [hbm4b:s4+s2], $0xC8, $0x38;
	[tilespmem:$0x14500] =	vst v63  }
0x58: {  	s7 =	simm.s32 $0xE10;
	s4 =	rddreg [dreg:$0xc]  }
0x59: {  	[tilespmem:s7], [sflag:$0x1] =	stream.linear.gather [hbm4b:s6+s2], $0xC8, $0x38;
	[tilespmem:$0x14500] =	vst v63  }
0x5a: {  	s5 =	simm.s32 $0xED8;
	s6 =	rddreg [dreg:$0x1f]  }
0x5b: {  	[tilespmem:s5], [sflag:$0x1] =	stream.linear.gather [hbm4b:s4+s2], $0xC8, $0x38;
	[tilespmem:$0x14500] =	vst v63  }
0x5c: {  	s7 =	simm.s32 $0xFA0;
	s4 =	rddreg [dreg:$0xd]  }
0x5d: {  	[tilespmem:s7], [sflag:$0x1] =	stream.linear.gather [hbm4b:s6+s2], $0xC8, $0x38;
	[tilespmem:$0x14500] =	vst v63  }
0x5e: {  	s5 =	simm.s32 $0x1068;
	s6 =	sld [smem:$0x7FB]  }
0x5f: {  	[tilespmem:s5], [sflag:$0x1] =	stream.linear.gather [hbm4b:s4+s2], $0xC8, $0x38;
	[tilespmem:$0x14500] =	vst v63  }
0x60: {  	s7 =	simm.s32 $0x1130;
	s4 =	rddreg [dreg:$0xe]  }
0x61: {  	[tilespmem:s7], [sflag:$0x1] =	stream.linear.gather [hbm4b:s6+s2], $0xC8, $0x38;
	[tilespmem:$0x14500] =	vst v63  }
0x62: {  	s5 =	simm.s32 $0x11F8;
	s6 =	sld [smem:$0x7FC]  }
0x63: {  	[tilespmem:s5], [sflag:$0x1] =	stream.linear.gather [hbm4b:s4+s2], $0xC8, $0x38;
	[tilespmem:$0x14500] =	vst v63  }
0x64: {  	s7 =	simm.s32 $0x12C0;
	s4 =	rddreg [dreg:$0xf]  }
0x65: {  	[tilespmem:s7], [sflag:$0x1] =	stream.linear.gather [hbm4b:s6+s2], $0xC8, $0x38;
	[tilespmem:$0x14500] =	vst v63  }
0x66: {  	s5 =	simm.s32 $0x1388;
	s6 =	sld [smem:$0x7FD]  }
0x67: {  	[tilespmem:s5], [sflag:$0x1] =	stream.linear.gather [hbm4b:s4+s2], $0xC8, $0x38;
	[tilespmem:$0x14500] =	vst v63  }
0x68: {  	s7 =	simm.s32 $0x1450  }
0x69: {  	[tilespmem:s7], [sflag:$0x1] =	stream.linear.gather [hbm4b:s6+s2], $0xC8, $0x38;
	[tilespmem:$0x14500] =	vst v63  }
0x6a: {  	s3 =	rddreg [dreg:$0x10];
	s4 =	simm.s32 $0x1518  }
0x6b: {  	[tilespmem:s4], [sflag:$0x1] =	stream.linear.gather [hbm4b:s3+s2], $0xC8, $0x38;
	[tilespmem:$0x14500] =	vst v63  }
0x6c: {  	s5 =	simm.s32 $0x15E0  }
0x6d: {  	[tilespmem:s5], [sflag:$0x1] =	stream.linear.gather [hbm4b:s9+s2], $0xC8, $0x38;
	[tilespmem:$0x14500] =	vst v63  }
0x6e: {  	s6 =	rddreg [dreg:$0x11];
	s7 =	simm.s32 $0x16A8  }
0x6f: {  	[tilespmem:s7], [sflag:$0x1] =	stream.linear.gather [hbm4b:s6+s2], $0xC8, $0x38;
	[tilespmem:$0x14500] =	vst v63  }
0x70: {  	s4 =	rddreg [dreg:$0x12];
	s5 =	simm.s32 $0x1770  }
0x71: {  	[tilespmem:s5], [sflag:$0x1] =	stream.linear.gather [hbm4b:s4+s2], $0xC8, $0x38;
	[tilespmem:$0x14500] =	vst v63  }
0x72: {  	s6 =	rddreg [dreg:$0x13];
	s7 =	simm.s32 $0x1838  }
0x73: {  	[tilespmem:s7], [sflag:$0x1] =	stream.linear.gather [hbm4b:s6+s2], $0xC8, $0x38;
	[tilespmem:$0x14500] =	vst v63  }
0x74: {  	_ =	swait.ge [sflag:s13], $0xC8  }
0x75: {  	[sflag:s13] =	ssyncset.done $0x0  }
0x76: {  	[sflag:s13] =	ssyncadd.s32 $0xFFFFFF38  }
0x77: {  	_ =	swait.ge [sflag:s13], $0xC8  }
0x78: {  	[sflag:s13] =	ssyncset.done $0x0  }
0x79: {  	[sflag:s13] =	ssyncadd.s32 $0xFFFFFF38  }
0x7a: {  	_ =	swait.ge [sflag:s13], $0xC8  }
0x7b: {  	[sflag:s13] =	ssyncset.done $0x0  }
0x7c: {  	[sflag:s13] =	ssyncadd.s32 $0xFFFFFF38  }
0x7d: {  	_ =	swait.ge [sflag:s13], $0xC8  }
0x7e: {  	[sflag:s13] =	ssyncset.done $0x0  }
0x7f: {  	[sflag:s13] =	ssyncadd.s32 $0xFFFFFF38  }
0x80: {  	_ =	swait.ge [sflag:s13], $0xC8  }
0x81: {  	[sflag:s13] =	ssyncset.done $0x0  }
0x82: {  	[sflag:s13] =	ssyncadd.s32 $0xFFFFFF38  }
0x83: {  	_ =	swait.ge [sflag:s13], $0xC8  }
0x84: {  	[sflag:s13] =	ssyncset.done $0x0  }
0x85: {  	[sflag:s13] =	ssyncadd.s32 $0xFFFFFF38  }
0x86: {  	_ =	swait.ge [sflag:s13], $0xC8  }
0x87: {  	[sflag:s13] =	ssyncset.done $0x0  }
0x88: {  	[sflag:s13] =	ssyncadd.s32 $0xFFFFFF38  }
0x89: {  	_ =	swait.ge [sflag:s13], $0xC8  }
0x8a: {  	[sflag:s13] =	ssyncset.done $0x0  }
0x8b: {  	[sflag:s13] =	ssyncadd.s32 $0xFFFFFF38  }
0x8c: {  	_ =	swait.ge [sflag:s13], $0xC8  }
0x8d: {  	[sflag:s13] =	ssyncset.done $0x0  }
0x8e: {  	[sflag:s13] =	ssyncadd.s32 $0xFFFFFF38  }
0x8f: {  	_ =	swait.ge [sflag:s13], $0xC8  }
0x90: {  	[sflag:s13] =	ssyncset.done $0x0  }
0x91: {  	[sflag:s13] =	ssyncadd.s32 $0xFFFFFF38  }
0x92: {  	_ =	swait.ge [sflag:s13], $0xC8  }
0x93: {  	[sflag:s13] =	ssyncset.done $0x0  }
0x94: {  	[sflag:s13] =	ssyncadd.s32 $0xFFFFFF38  }
0x95: {  	_ =	swait.ge [sflag:s13], $0xC8  }
0x96: {  	[sflag:s13] =	ssyncset.done $0x0  }
0x97: {  	[sflag:s13] =	ssyncadd.s32 $0xFFFFFF38  }
0x98: {  	_ =	swait.ge [sflag:s13], $0xC8  }
0x99: {  	[sflag:s13] =	ssyncset.done $0x0  }
0x9a: {  	[sflag:s13] =	ssyncadd.s32 $0xFFFFFF38  }
0x9b: {  	_ =	swait.ge [sflag:s13], $0xC8  }
0x9c: {  	[sflag:s13] =	ssyncset.done $0x0  }
0x9d: {  	[sflag:s13] =	ssyncadd.s32 $0xFFFFFF38  }
0x9e: {  	_ =	swait.ge [sflag:s13], $0xC8  }
0x9f: {  	[sflag:s13] =	ssyncset.done $0x0  }
0xa0: {  	[sflag:s13] =	ssyncadd.s32 $0xFFFFFF38  }
0xa1: {  	_ =	swait.ge [sflag:s13], $0xC8  }
0xa2: {  	[sflag:s13] =	ssyncset.done $0x0  }
0xa3: {  	[sflag:s13] =	ssyncadd.s32 $0xFFFFFF38  }
0xa4: {  	_ =	swait.ge [sflag:s13], $0xC8  }
0xa5: {  	[sflag:s13] =	ssyncset.done $0x0  }
0xa6: {  	[sflag:s13] =	ssyncadd.s32 $0xFFFFFF38  }
0xa7: {  	_ =	swait.ge [sflag:s13], $0xC8  }
0xa8: {  	[sflag:s13] =	ssyncset.done $0x0  }
0xa9: {  	[sflag:s13] =	ssyncadd.s32 $0xFFFFFF38  }
0xaa: {  	_ =	swait.ge [sflag:s13], $0xC8  }
0xab: {  	[sflag:s13] =	ssyncset.done $0x0  }
0xac: {  	[sflag:s13] =	ssyncadd.s32 $0xFFFFFF38  }
0xad: {  	_ =	swait.ge [sflag:s13], $0xC8  }
0xae: {  	[sflag:s13] =	ssyncset.done $0x0  }
0xaf: {  	[sflag:s13] =	ssyncadd.s32 $0xFFFFFF38  }
0xb0: {  	_ =	swait.ge [sflag:s13], $0xC8  }
0xb1: {  	[sflag:s13] =	ssyncset.done $0x0  }
0xb2: {  	[sflag:s13] =	ssyncadd.s32 $0xFFFFFF38  }
0xb3: {  	_ =	swait.ge [sflag:s13], $0xC8  }
0xb4: {  	[sflag:s13] =	ssyncset.done $0x0  }
0xb5: {  	[sflag:s13] =	ssyncadd.s32 $0xFFFFFF38  }
0xb6: {  	_ =	swait.ge [sflag:s13], $0xC8  }
0xb7: {  	[sflag:s13] =	ssyncset.done $0x0  }
0xb8: {  	[sflag:s13] =	ssyncadd.s32 $0xFFFFFF38  }
0xb9: {  	_ =	swait.ge [sflag:s13], $0xC8  }
0xba: {  	[sflag:s13] =	ssyncset.done $0x0  }
0xbb: {  	[sflag:s13] =	ssyncadd.s32 $0xFFFFFF38  }
0xbc: {  	_ =	swait.ge [sflag:s13], $0xC8  }
0xbd: {  	[sflag:s13] =	ssyncset.done $0x0  }
0xbe: {  	[sflag:s13] =	ssyncadd.s32 $0xFFFFFF38  }
0xbf: {  	_ =	swait.ge [sflag:s13], $0xC8  }
0xc0: {  	[sflag:s13] =	ssyncset.done $0x0  }
0xc1: {  	[sflag:s13] =	ssyncadd.s32 $0xFFFFFF38  }
0xc2: {  	_ =	swait.ge [sflag:s13], $0xC8  }
0xc3: {  	[sflag:s13] =	ssyncset.done $0x0  }
0xc4: {  	[sflag:s13] =	ssyncadd.s32 $0xFFFFFF38  }
0xc5: {  	_ =	swait.ge [sflag:s13], $0xC8  }
0xc6: {  	[sflag:s13] =	ssyncset.done $0x0  }
0xc7: {  	[sflag:s13] =	ssyncadd.s32 $0xFFFFFF38  }
0xc8: {  	_ =	swait.ge [sflag:s13], $0xC8  }
0xc9: {  	[sflag:s13] =	ssyncset.done $0x0  }
0xca: {  	[sflag:s13] =	ssyncadd.s32 $0xFFFFFF38  }
0xcb: {  	_ =	swait.ge [sflag:s13], $0xC8  }
0xcc: {  	[sflag:s13] =	ssyncset.done $0x0  }
0xcd: {  	[sflag:s13] =	ssyncadd.s32 $0xFFFFFF38  }
0xce: {  	_ =	swait.ge [sflag:s13], $0xC8  }
0xcf: {  	[sflag:s13] =	ssyncset.done $0x0  }
0xd0: {  	[sflag:s13] =	ssyncadd.s32 $0xFFFFFF38  }
0xd1: {  	_ =	swait.ge [sflag:s13], $0xC8  }
0xd2: {  	[sflag:s13] =	ssyncset.done $0x0  }
0xd3: {  	[sflag:s13] =	ssyncadd.s32 $0xFFFFFF38  }
0xd4: {  	[tilespmem:s14], [sflag:$0x2] =	stream.indirect.gather [hbm4b:s25+s12], $0x40, s2, s12, $0xb8;
	[tilespmem:$0x14500] =	vst v63  }
0xd5: {  	_ = 	snop  }
0xd6: {  	[tilespmem:s15], [sflag:$0x3] =	stream.indirect.gather [hbm4b:s25+s12], $0x40, s12, s12, $0xb8;
	[tilespmem:$0x14500] =	vst v63  }
0xd7: {  	_ =	swait.ge [sflag:s16], $0x6400  }
0xd8: {  	p0 =	por $0x1, $0x1;
	[sflag:s16] =	ssyncset.done $0x0  }
0xd9: {  	s0 =	simm.s32 @!p0 $0x7;
	[sflag:s16] =	ssyncadd.s32 $0xFFFF9C00  }
0xda: {  	_ =	swait.ge @!p0 [sflag:s0], $0x3200  }
0xdb: {  	[sflag:s0] =	ssyncset.done @!p0 $0x0  }
0xdc: {  	[sflag:s0] =	ssyncadd.s32 @!p0 $0xFFFFCE00  }
0xdd: {  	_ =	swait.ge @!p0 [sflag:s0], $0x3200  }
0xde: {  	[sflag:s0] =	ssyncset.done @!p0 $0x0  }
0xdf: {  	s4 =	rddreg [dreg:$0x3];
	[sflag:s0] =	ssyncadd.s32 @!p0 $0xFFFFCE00  }
0xe0: {  	[tilespmem:s17], [sflag:$0x4] =	stream.indirect.gather [hbm4b:s25+s12], $0x40, s1, s12, $0xb8;
	[tilespmem:$0x14500] =	vst v63  }
0xe1: {  	s3 =	sadd.s32 $0x0, s4  }
0xe2: {  	[hbm4b:s3+s2] =	stream.linear.scatter [tilespmem:s14], [sflag:$0x5], $0x3200, $0x38;
	[tilespmem:$0x14500] =	vst v63  }
0xe3: {  	s4 =	sadd.s32 $0x0, s23  }
0xe4: {  	[hbm4b:s4+s2] =	stream.linear.scatter [tilespmem:s18], [sflag:$0x5], $0x3200, $0x38;
	[tilespmem:$0x14500] =	vst v63  }
0xe5: {  	_ =	swait.ge [sflag:s19], $0x6400  }
0xe6: {  	[sflag:s19] =	ssyncset.done $0x0  }
0xe7: {  	[sflag:s19] =	ssyncadd.s32 $0xFFFF9C00  }
0xe8: {  	_ =	swait.ge [sflag:s20], $0x3200  }
0xe9: {  	[sflag:s20] =	ssyncset.done $0x0  }
0xea: {  	[sflag:s20] =	ssyncadd.s32 $0xFFFFCE00  }
0xeb: {  	_ =	swait.ge [sflag:s20], $0x3200  }
0xec: {  	[sflag:s20] =	ssyncset.done $0x0  }
0xed: {  	s5 =	simm.s32 $0x4B0;
	[sflag:s20] =	ssyncadd.s32 $0xFFFFCE00  }
0xee: {  	[tilespmem:s14], [sflag:$0x2] =	stream.indirect.gather [hbm4b:s25+s12], $0x40, s5, s12, $0xb8;
	[tilespmem:$0x14500] =	vst v63  }
0xef: {  	s6 =	sadd.s32 $0xC80, s3  }
0xf0: {  	[hbm4b:s6+s2] =	stream.linear.scatter [tilespmem:s15], [sflag:$0x6], $0x3200, $0x38;
	[tilespmem:$0x14500] =	vst v63  }
0xf1: {  	s7 =	sadd.s32 $0x0, s22  }
0xf2: {  	[hbm4b:s7+s2] =	stream.linear.scatter [tilespmem:s21], [sflag:$0x6], $0x3200, $0x38;
	[tilespmem:$0x14500] =	vst v63  }
0xf3: {  	_ =	swait.ge [sflag:s26], $0x6400  }
0xf4: {  	p0 =	por $0x0, $0x0;
	[sflag:s26] =	ssyncset.done $0x0  }
0xf5: {  	s1 =	simm.s32 @!p0 $0x6;
	[sflag:s26] =	ssyncadd.s32 $0xFFFF9C00  }
0xf6: {  	_ =	swait.ge @!p0 [sflag:s1], $0x3200  }
0xf7: {  	[sflag:s1] =	ssyncset.done @!p0 $0x0  }
0xf8: {  	[sflag:s1] =	ssyncadd.s32 @!p0 $0xFFFFCE00  }
0xf9: {  	_ =	swait.ge @!p0 [sflag:s1], $0x3200  }
0xfa: {  	s4 =	simm.s32 @!p0 $0x190;
	[sflag:s1] =	ssyncset.done @!p0 $0x0  }
0xfb: {  	s5 =	simm.s32 @!p0 $0x7D00;
	[sflag:s1] =	ssyncadd.s32 @!p0 $0xFFFFCE00;
	s1 =	simm.s32 @!p0 $0x640  }
0xfc: {  	[tilespmem:s5], [sflag:$0x3] =	stream.indirect.gather @!p0 [hbm4b:s25+s4], $0x40, s1, s4, $0xb8;
	[tilespmem:$0x14500] =	vst v63  }
0xfd: {  	s0 =	sadd.s32 $0x1900, s3  }
0xfe: {  	[hbm4b:s0+s2] =	stream.linear.scatter [tilespmem:s17], [sflag:$0x7], $0x3200, $0x38;
	[tilespmem:$0x14500] =	vst v63  }
0xff: {  	s1 =	simm.s32 $0x2580;
	s4 =	sadd.s32 $0x0, s24;
	s0 =	simm.s32 $0x7D0  }
.LBB2_2:
0x100: {  	[hbm4b:s4+s2] =	stream.linear.scatter [tilespmem:s28], [sflag:$0x7], $0x3200, $0x38;
	[tilespmem:$0x14500] =	vst v63  }
0x101: {  	s4 =	smov.u32 s1;
	_ =	swait.ge [sflag:s16], $0x6400  }
0x102: {  	p1 =	seq.s32 s4, $0x0;
	[sflag:s16] =	ssyncset.done $0x0  }
0x103: {  	s5 =	simm.s32 @!p1 $0x7;
	[sflag:s16] =	ssyncadd.s32 $0xFFFF9C00  }
0x104: {  	_ =	swait.ge @!p1 [sflag:s5], $0x3200  }
0x105: {  	[sflag:s5] =	ssyncset.done @!p1 $0x0  }
0x106: {  	[sflag:s5] =	ssyncadd.s32 @!p1 $0xFFFFCE00  }
0x107: {  	_ =	swait.ge @!p1 [sflag:s5], $0x3200  }
0x108: {  	[sflag:s5] =	ssyncset.done @!p1 $0x0  }
0x109: {  	s6 =	rddreg [dreg:$0x3];
	[sflag:s5] =	ssyncadd.s32 @!p1 $0xFFFFCE00  }
0x10a: {  	[tilespmem:s17], [sflag:$0x4] =	stream.indirect.gather [hbm4b:s25+s12], $0x40, s0, s12, $0xb8;
	[tilespmem:$0x14500] =	vst v63  }
0x10b: {  	s5 =	sadd.s32 s4, s6  }
0x10c: {  	[hbm4b:s5+s2] =	stream.linear.scatter [tilespmem:s14], [sflag:$0x5], $0x3200, $0x38;
	[tilespmem:$0x14500] =	vst v63  }
0x10d: {  	s7 =	sadd.s32 s4, s23  }
0x10e: {  	[hbm4b:s7+s2] =	stream.linear.scatter [tilespmem:s18], [sflag:$0x5], $0x3200, $0x38;
	[tilespmem:$0x14500] =	vst v63  }
0x10f: {  	_ =	swait.ge [sflag:s19], $0x6400  }
0x110: {  	[sflag:s19] =	ssyncset.done $0x0  }
0x111: {  	[sflag:s19] =	ssyncadd.s32 $0xFFFF9C00  }
0x112: {  	_ =	swait.ge [sflag:s20], $0x3200  }
0x113: {  	[sflag:s20] =	ssyncset.done $0x0  }
0x114: {  	[sflag:s20] =	ssyncadd.s32 $0xFFFFCE00  }
0x115: {  	_ =	swait.ge [sflag:s20], $0x3200  }
0x116: {  	[sflag:s20] =	ssyncset.done $0x0  }
0x117: {  	s3 =	sadd.s32 $0x190, s0;
	[sflag:s20] =	ssyncadd.s32 $0xFFFFCE00  }
0x118: {  	[tilespmem:s14], [sflag:$0x2] =	stream.indirect.gather [hbm4b:s25+s12], $0x40, s3, s12, $0xb8;
	[tilespmem:$0x14500] =	vst v63  }
0x119: {  	s7 =	sadd.s32 $0xC80, s5  }
0x11a: {  	[hbm4b:s7+s2] =	stream.linear.scatter [tilespmem:s15], [sflag:$0x6], $0x3200, $0x38;
	[tilespmem:$0x14500] =	vst v63  }
0x11b: {  	s3 =	sadd.s32 s4, s22  }
0x11c: {  	[hbm4b:s3+s2] =	stream.linear.scatter [tilespmem:s21], [sflag:$0x6], $0x3200, $0x38;
	[tilespmem:$0x14500] =	vst v63  }
0x11d: {  	_ =	swait.ge [sflag:s26], $0x6400  }
0x11e: {  	p1 =	seq.s32 s4, $0x9600;
	[sflag:s26] =	ssyncset.done $0x0  }
0x11f: {  	s6 =	simm.s32 @!p1 $0x6;
	[sflag:s26] =	ssyncadd.s32 $0xFFFF9C00  }
0x120: {  	_ =	swait.ge @!p1 [sflag:s6], $0x3200  }
0x121: {  	[sflag:s6] =	ssyncset.done @!p1 $0x0  }
0x122: {  	s1 =	sadd.s32 $0x2580, s1;
	[sflag:s6] =	ssyncadd.s32 @!p1 $0xFFFFCE00  }
0x123: {  	p0 =	sne.s32 s1, $0xBB80;
	_ =	swait.ge @!p1 [sflag:s6], $0x3200  }
.Ltmp0:
0x124: {  	s7 =	simm.s32 @!p1 $0x7D00;
	[sflag:s6] =	ssyncset.done @!p1 $0x0;
	(pc) =	sbr.rel @p0 .LBB2_2-.Ltmp0, $4  }
0x125: {  	s3 =	simm.s32 @!p1 $0x190;
	[sflag:s6] =	ssyncadd.s32 @!p1 $0xFFFFCE00;
	s6 =	sadd.s32 @!p1 $0x320, s0  }
0x126: {  	[tilespmem:s7], [sflag:$0x3] =	stream.indirect.gather @!p1 [hbm4b:s25+s3], $0x40, s6, s3, $0xb8;
	[tilespmem:$0x14500] =	vst v63  }
0x127: {  	s4 =	sadd.s32 s4, s24;
	s0 =	sadd.s32 $0x4B0, s0;
	s7 =	sadd.s32 $0x1900, s5  }
0x128: {  	[hbm4b:s7+s2] =	stream.linear.scatter [tilespmem:s17], [sflag:$0x7], $0x3200, $0x38;
	[tilespmem:$0x14500] =	vst v63  }
0x129: {  	[hbm4b:s4+s2] =	stream.linear.scatter [tilespmem:s28], [sflag:$0x7], $0x3200, $0x38;
	[tilespmem:$0x14500] =	vst v63  }
0x12a: {  	_ =	swait.ge [sflag:s16], $0x6400  }
0x12b: {  	[sflag:s16] =	ssyncset.done $0x0  }
0x12c: {  	s0 =	rddreg [dreg:$0x14];
	[sflag:s16] =	ssyncadd.s32 $0xFFFF9C00  }
0x12d: {  	[hbm4b:s0+s2] =	stream.linear.scatter [tilespmem:s14], [sflag:$0x5], $0x3200, $0x38;
	[tilespmem:$0x14500] =	vst v63  }
0x12e: {  	s7 =	rddreg [dreg:$0x15]  }
0x12f: {  	[hbm4b:s7+s2] =	stream.linear.scatter [tilespmem:s18], [sflag:$0x5], $0x3200, $0x38;
	[tilespmem:$0x14500] =	vst v63  }
0x130: {  	_ =	swait.ge [sflag:s29], $0x3200  }
0x131: {  	[sflag:s29] =	ssyncset.done $0x0  }
0x132: {  	[sflag:s29] =	ssyncadd.s32 $0xFFFFCE00  }
0x133: {  	_ =	swait.ge [sflag:s29], $0x3200  }
0x134: {  	[sflag:s29] =	ssyncset.done $0x0  }
0x135: {  	[sflag:s29] =	ssyncadd.s32 $0xFFFFCE00  }
0x136: {  	_ =	swait.ge [sflag:s30], $0x3200  }
0x137: {  	[sflag:s30] =	ssyncset.done $0x0  }
0x138: {  	[sflag:s30] =	ssyncadd.s32 $0xFFFFCE00  }
0x139: {  	_ =	swait.ge [sflag:s30], $0x3200  }
0x13a: {  	[sflag:s30] =	ssyncset.done $0x0  }
0x13b: {  	s31 =	sadd.s32 $0x1, s31;
	[sflag:s30] =	ssyncadd.s32 $0xFFFFCE00  }
0x13c: {  	p0 =	sne.s32 s31, s10;
	_ =	swait.ge [sflag:s20], $0x3200  }
.Ltmp1:
0x13d: {  	[sflag:s20] =	ssyncset.done $0x0;
	(pc) =	sbr.rel @p0 .LBB2_1-.Ltmp1, $4  }
0x13e: {  	[sflag:s20] =	ssyncadd.s32 $0xFFFFCE00  }
0x13f: {  	_ =	swait.ge [sflag:s20], $0x3200  }
0x140: {  	[sflag:s20] =	ssyncset.done $0x0  }
0x141: {  	[sflag:s20] =	ssyncadd.s32 $0xFFFFCE00  }
0x142: {  	_ =	sfence.sel $0x180000  }
0x143: {  	[bflag:$0x0] =	sbarrier.arrive $0xFFFF  }
0x144: {  	_ =	strace $0x90000047  }
0x145: {  	s0 =	stileid.u32;
	[bflag:$0x2] =	sbarrier.arrive $0xFFFF  }
0x146: {  	p0 =	sne.s32 s0, $0x0;
	s0 =	rddreg [dreg:$0x2]  }
0x147: {  	s0 =	sadd.s32 @!p0 $0x100000, s0  }
0x148: {  	[sflag:s0] =	ssyncadd.tile.s32 @!p0 $0x1;
	_ =	shalt  }
.Lfunc_end2:
_tile_overlayer_lowered:
.L_overlay_start_2:
0x149: {  	(tag) =	ssettag $0x2  }
0x14a: {  	s0 =	rddreg [dreg:$0x0];
	s2 =	stileid.u32  }
0x14b: {  	s1 =	rddreg [dreg:$0x1];
	p0 =	sne.s32 s2, $0x0  }
0x14c: {  	s3 =	rddreg [dreg:$0x2];
	[bflag:$0x3] =	sbarrier.arrive $0xFFFF;
	s2 =	simm.s32 @!p0 $0x1C08  }
0x14d: {  	[timem:s3], [sflag:s2] =	dma.local @!p0 [hbm:s0], s1  }
0x14e: {  	s0 =	simm.s32 @!p0 $0x8  }
0x14f: {  	_ =	swait.ge @!p0 [sflag:s0], s1  }
0x150: {  	s1 =	ssub.s32 @!p0 $0x0, s1;
	[sflag:s0] =	ssyncset.done @!p0 $0x0  }
0x151: {  	[sflag:s0] =	ssyncadd.s32 @!p0 s1  }
0x152: {  	[bflag:$0x3] =	sbarrier.arrive $0xFFFF  }
0x153: {  	_ =	shalt  }

// kernel: sparse-core-data-format-call.cloned.1.call-start
scs
called_computation_lowered:
.L_overlay_start_0:
0x0: {  	s2 =	sld [smem:$0x3FD9]  }
0x1: {  	s3 =	sld [smem:$0x3FFE];
	_ =	sdelay $0x1  }
0x2: {  	s1 =	srdreg.scid  }
0x3: {  	s0 =	sand.u32 $0x1, s1  }
0x4: {  	s18 =	sshll.u32 s0, $0xA;
	s2 =	sadd.s32 s3, s2  }
0x5: {  	s2 =	sadd.s32 s2, s18  }
0x6: {  	[smem:$0x3FC3] =	sst s2  }
0x7: {  	_ = 	snop  }
0x8: {  	s2 =	sld [smem:$0x3FD0];
	(tm) =	ssettm $0x1  }
0x9: {  	s19 =	sld [smem:$0x3FFB];
	_ =	sdelay $0x3  }
0xa: {  	_ =	strace s19  }
0xb: {  	s3 =	sld [smem:$0x3FFC];
	_ =	sdelay $0x3  }
0xc: {  	_ =	strace s3  }
0xd: {  	s3 =	sld [smem:$0x3FFD];
	_ =	sdelay $0x3  }
0xe: {  	_ =	strace s3  }
0xf: {  	_ =	strace $0x8FFFFFFF  }
0x10: {  	s20 =	sld [smem:$0x3FDB];
	_ =	sdelay $0x1  }
0x11: {  	s4 =	simm.s32 $_scs_section_size  }
0x12: {  	s5 =	simm.s32 $_size__tile_overlayer_lowered;
	s6 =	simm.s32 $_tile_overlayer_lowered  }
0x13: {  	s23 =	simm.s32 $0x1BFF;
	s22 =	sshll.u32 s6, $0x1;
	s3 =	sadd.s32 s4, s20  }
0x14: {  	s7 =	simm.s32 $0x0;
	s21 =	sshll.u32 s5, $0x1;
	s5 =	sadd.s32 s22, s3  }
0x15: {  	[timem:s7], [sflag:s23] =	dma.local [hbm:s5], s21  }
0x16: {  	_ =	swait.ge [sflag:s23], s21  }
0x17: {  	s4 =	ssub.s32 $0x0, s21;
	[sflag:s23] =	ssyncset.done $0x0  }
0x18: {  	[sflag:s23] =	ssyncadd.s32 s4;
	_ =	sdelay $0x1  }
0x19: {  	s24 =	simm.s32 $0x1B8B  }
0x1a: {  	_ =	swait.ge [sflag:s24], $0x1  }
0x1b: {  	[sflag:s24] =	ssyncset.done $0x0  }
0x1c: {  	s26 =	simm.s32 $0x1B8E;
	s25 =	sld [smem:$0x3FFE];
	[sflag:s24] =	ssyncadd.s32 $0xFFFFFFFF  }
0x1d: {  	s27 =	simm.s32 $execute0_lowered;
	[smem:$0x3FD2] =	sst s26  }
0x1e: {  	s5 =	sshll.u32 s27, $0x1;
	_ =	strace $0x80000049;
	[dreg:$0x1] =	wrdreg $0xFFFFFFFF  }
0x1f: {  	s28 =	simm.s32 $_size_execute0_lowered;
	s3 =	sadd.s32 s3, s5;
	[dreg:$0x0] =	wrdreg $0x0  }
0x20: {  	s5 =	sshll.u32 s28, $0x1;
	[dreg:$0x2] =	wrdreg s3  }
0x21: {  	[dreg:$0x3] =	wrdreg s5  }
0x22: {  	[dreg:$0x4] =	wrdreg $0xC0  }
0x23: {  	_ =	task [dreg:s7], $0x5FFFF  }
0x24: {  	[dreg:$0x1] =	wrdreg $0xFFFFFFFF  }
0x25: {  	[dreg:$0x0] =	wrdreg $0x60  }
0x26: {  	[dreg:$0x2] =	wrdreg s25  }
0x27: {  	[dreg:$0x3] =	wrdreg s2  }
0x28: {  	[dreg:$0x4] =	wrdreg $0x9  }
0x29: {  	_ =	task.clear_ibuf [dreg:s7], $0x5FFFF;
	_ =	strace $0x90000049  }
0x2a: {  	s29 =	simm.s32 $0x9;
	_ =	strace $0x8000004B  }
0x2b: {  	_ =	swait.ge [sflag:s29], $0x1  }
0x2c: {  	[sflag:s29] =	ssyncadd.s32 $0xFFFFFFFF  }
0x2d: {  	_ =	strace $0x9000004B  }
0x2e: {  	_ =	sfence  }
0x2f: {  	s30 =	sld [smem:$0x0];
	_ =	sdelay $0x2  }
0x30: {  	s31 =	sshll.u32 s1, $0xD;
	s1 =	sshrl.u32 s1, $0x2  }
0x31: {  	s3 =	sand.u32 $0x4000, s31;
	s1 =	sadd.s32 s1, s30  }
0x32: {  	s0 =	sor.u32 s3, s0;
	s1 =	sshll.u32 s1, $0x11  }
0x33: {  	s0 =	sor.u32 s1, s0  }
0x34: {  	s0 =	sadd.s32 $0x8F2B, s0  }
0x35: {  	[sflag:s0] =	ssyncadd.remote.s32 $0x1  }
0x36: {  	_ =	sfence.sel $0xFFFF  }
0x37: {  	[dreg:$0x0] =	wrdreg $0xFFFFFFFF;
	(pc) =	sbr.abs _section_cstart, $3  }
0x38: {  	[dreg:$0x1] =	wrdreg $0xFFFFFFFF  }
0x39: {  	_ =	task.clear_ibuf [dreg:s7], $0x2FFFF;
	_ =	strace $0x9FFFFFFF  }
0x3a: {  	(tm) =	ssettm $0x7FFFFFFF  }
0x3b: {  	_ =	shalt  }
tec
execute0_lowered:
.L_overlay_start_1:
0x0: {  	(tag) =	ssettag $0x1  }
0x1: {  	s0 =	stileid.u32;
	s6 =	rddreg [dreg:$0x0]  }
0x2: {  	s2 =	rddreg [dreg:$0x1];
	s5 =	srdreg.scid  }
0x3: {  	s31 =	simm.s32 $0x2;
	s13 =	simm.s32 $0x0;
	s1 =	sshll.u32 s0, $0x7  }
0x4: {  	s14 =	simm.s32 $0x0;
	s12 =	simm.s32 $0x0;
	s3 =	sand.u32 $0x380, s1  }
0x5: {  	s5 =	sshll.u32 s5, $0x4;
	s6 =	sadd.s32 $0x1400, s6;
	s4 =	ssub.s32 $0x400, s3  }
0x6: {  	s1 =	rddreg [dreg:$0x2];
	_ =	strace $0x8000004A;
	s7 =	sand.u32 $0x380, s4  }
0x7: {  	s5 =	sand.u32 $0x10, s5;
	p0 =	sne.s32 s7, $0x0;
	s7 =	simm.s32 $0x1  }
.Ltmp0:
0x8: {  	s8 =	sshrl.u32 s4, $0xA;
	s7 =	simm.s32 @!p0 $0x0;
	(pc) =	sbr.rel .LBB1_1-.Ltmp0, $4  }
0x9: {  	s9 =	sor.u32 s0, s5;
	s4 =	simm.s32 $0x1;
	s30 =	sadd.s32 s7, s8  }
0xa: {  	s11 =	smov.u32 s3;
	[sflag:s4] =	ssyncpa.u1 $0x0;
	s5 =	smul.u32 $0x32, s30  }
0xb: {  	[sflag:s31] =	ssyncpa.u1 $0x0;
	p0 =	por $0x0, $0x0;
	s7 =	sshrl.u32 s9, $0x3  }
0xc: {  	s9 =	simm.s32 $0x2000;
	s10 =	smov.u32 s7;
	s8 =	sor.u32 $0x1, s5  }
.LBB1_4:
0xd: {  	s17 =	sand.u32 $0x1F80, s14;
	s13 =	sshll.u32 s13, $0xD  }
0xe: {  	[tilespmem:s16+$0x810 ss:$0x81] =	vst.msk $0xffff, v2;
	s18 =	sshrl.u32 s14, $0x3;
	s31 =	sand.u32 $0x7, s14;
	s17 =	sadd.s32 s2, s17  }
0xf: {  	[tilespmem:s16+$0x1020 ss:$0x81] =	vst.msk $0xffff, v0;
	s18 =	sand.u32 $0xF, s18;
	s14 =	sshll.u32 s31, $0x12;
	s13 =	sadd.s32 s13, s17  }
0x10: {  	[tilespmem:s16+$0x0 ss:$0x81] =	vst.msk $0xffff, v1;
	s14 =	sor.u32 $0x400, s14;
	s13 =	sadd.s32 s18, s13  }
0x11: {  	[hbm4b:s13+s14] =	stream.strided.scatter [tilespmem:s15], [sflag:$0x2], $0x2000, s9, s14, $0x20;
	[tilespmem:$0x8080] =	vst v63  }
.LBB1_5:
0x12: {  	s15 =	sadd.s32 $0x4, s10  }
0x13: {  	s13 =	sadd.s32 $0x400, s11;
	s17 =	smov.u32 s11;
	p2 =	sgt.s32 s15, $0xC7  }
0x14: {  	s17 =	smov.u32 @p2 s13  }
0x15: {  	s15 =	smov.u32 @p2 s7;
	p2 =	sgt.s32 s17, $0x3FF  }
0x16: {  	s17 =	smov.u32 @p2 s3;
	p2 =	sne.s32 s12, s8  }
.Ltmp1:
0x17: {  	p1 =	slt.u32 s12, $0x2;
	(pc) =	sbr.rel @!p2 .LBB1_6-.Ltmp1, $4  }
0x18: {  	s16 =	simm.s32 @!p1 $0x2  }
0x19: {  	s14 =	smov.u32 s11;
	p0 =	por !p0, !p0;
	_ =	swait.ge @!p1 [sflag:s16], $0x2000  }
0x1a: {  	s13 =	smov.u32 s10;
	[sflag:s16] =	ssyncset.done @!p1 $0x0;
	s10 =	smov.u32 s15  }
0x1b: {  	s12 =	sadd.s32 $0x1, s12;
	[sflag:s16] =	ssyncadd.s32 @!p1 $0xFFFFE000;
	s11 =	smov.u32 s17  }
.LBB1_1:
0x1c: {  	p1 =	sge.u32 s12, s5  }
0x1d: {  	s15 =	sand.u32 @!p1 $0x1FFFFFF, s10  }
0x1e: {  	s16 =	smulhi.u32 @!p1 $0x147AE15, s15;
	_ =	sdelay $0x1  }
0x1f: {  	s16 =	smul.u32 @!p1 $0xC8, s16  }
0x20: {  	s17 =	sxor.u32 @!p1 $0xFFFFFFFF, s12;
	s18 =	smul.u32 @!p1 $0xC80, s11  }
0x21: {  	s31 =	sadd.s32 $0xFFFFFFFF, s12;
	s17 =	sshll.u32 @!p1 s17, $0xD;
	s15 =	ssub.s32 @!p1 s15, s16  }
0x22: {  	s16 =	sand.u32 @!p1 $0x2000, s17;
	s17 =	sadd.s32 @!p1 s6, s18;
	s15 =	sshll.u32 @!p1 s15, $0x4  }
0x23: {  	s18 =	simm.s32 @!p1 $0x6400;
	s15 =	sadd.s32 @!p1 s15, s17;
	s17 =	simm.s32 @!p1 $0x40  }
0x24: {  	[tilespmem:s16], [sflag:$0x1] =	stream.strided.gather @!p1 [hbm4b:s15+s17], $0x2000, s18, s17, $0x38;
	[tilespmem:$0x8080] =	vst v63  }
0x25: {  	p1 =	sge.u32 s31, s5  }
.Ltmp2:
0x26: {  	_ = 	snop;
	(pc) =	sbr.rel @p1 .LBB1_5-.Ltmp2, $1  }
0x27: {  	_ =	sdelay $0x3  }
0x28: {  	s15 =	simm.s32 $0x1  }
0x29: {  	_ =	swait.ge [sflag:s4], $0x2000;
	s15 =	simm.s32 @!p0 $0x0  }
0x2a: {  	[sflag:s4] =	ssyncset.done $0x0;
	s16 =	sshll.u32 s15, $0xD  }
0x2b: {  	[sflag:s4] =	ssyncadd.s32 $0xFFFFE000;
	s19 =	sor.u32 $0x20, s16  }
0x2c: {  	s15 =	smul.u32 $0x8100, s15;
	v3 =	vld [tilespmem:s19+$0x10]  }
0x2d: {  	s30 =	sand.u32 $0x1, s12;
	v2 =	vld [tilespmem:s19+$0xFFFFFFF0]  }
0x2e: {  	s16 =	smul.u32 $0x8100, s30;
	s15 =	sshrl.u32 s15, $0x2;
	v0 =	vld [tilespmem:s19+$0x0]  }
0x2f: {  	v1 =	vld [tilespmem:s19+$0xFFFFFFE0];
	s17 =	sor.u32 $0x4000, s15  }
0x30: {  	s31 =	sshrl.u32 s16, $0x2;
	s16 =	sadd.s32 $0x0, s17  }
0x31: {  	s18 =	simm.s32 $0x4;
	s19 =	sadd.s32 $0x40, s19;
	s15 =	sor.u32 $0x4000, s31;
	[tilespmem:s16+$0x1830 ss:$0x81] =	vst.msk $0xffff, v3  }
.LBB1_3:
0x32: {  	v3 =	vld [tilespmem:s19+$0x10];
	p1 =	sne.s32 s18, $0x1FC;
	[tilespmem:s16+$0x810 ss:$0x81] =	vst.msk $0xffff, v2;
	s20 =	smov.u32 s18;
	s18 =	sadd.s32 $0x4, s18  }
.Ltmp3:
0x33: {  	v2 =	vld [tilespmem:s19+$0xFFFFFFF0];
	[tilespmem:s16+$0x1020 ss:$0x81] =	vst.msk $0xffff, v0;
	(pc) =	sbr.rel @p1 .LBB1_3-.Ltmp3, $4  }
0x34: {  	v0 =	vld [tilespmem:s19+$0x0];
	[tilespmem:s16+$0x0 ss:$0x81] =	vst.msk $0xffff, v1  }
0x35: {  	s16 =	sshra.s32 s20, $0x2;
	v1 =	vld [tilespmem:s19+$0xFFFFFFE0]  }
0x36: {  	s16 =	sadd.s32 s16, s17  }
0x37: {  	s19 =	sadd.s32 $0x40, s19;
	[tilespmem:s16+$0x1830 ss:$0x81] =	vst.msk $0xffff, v3  }
.Ltmp4:
0x38: {  	_ = 	snop;
	(pc) =	sbr.rel .LBB1_4-.Ltmp4, $1  }
0x39: {  	_ =	sdelay $0x3  }
.LBB1_6:
0x3a: {  	_ =	sfence.sel $0x180000  }
0x3b: {  	s2 =	simm.s32 $0x1;
	[bflag:$0x0] =	sbarrier.arrive $0xFFFF  }
0x3c: {  	s31 =	simm.s32 $0x2;
	[sflag:s2] =	ssyncpa.u1 $0x1  }
0x3d: {  	[sflag:s31] =	ssyncpa.u1 $0x1  }
0x3e: {  	p0 =	sne.s32 s0, $0x0;
	_ =	strace $0x9000004A  }
0x3f: {  	s0 =	sadd.s32 @!p0 $0x100000, s1;
	[bflag:$0x2] =	sbarrier.arrive $0xFFFF  }
0x40: {  	[sflag:s0] =	ssyncadd.tile.s32 @!p0 $0x1;
	_ =	shalt  }
.Lfunc_end1:
_tile_overlayer_lowered:
.L_overlay_start_2:
0x41: {  	(tag) =	ssettag $0x2  }
0x42: {  	s0 =	rddreg [dreg:$0x0];
	s2 =	stileid.u32  }
0x43: {  	s1 =	rddreg [dreg:$0x1];
	p0 =	sne.s32 s2, $0x0  }
0x44: {  	s3 =	rddreg [dreg:$0x2];
	[bflag:$0x3] =	sbarrier.arrive $0xFFFF;
	s2 =	simm.s32 @!p0 $0x1C01  }
0x45: {  	[timem:s3], [sflag:s2] =	dma.local @!p0 [hbm:s0], s1  }
0x46: {  	s0 =	simm.s32 @!p0 $0x1  }
0x47: {  	_ =	swait.ge @!p0 [sflag:s0], s1  }
0x48: {  	s1 =	ssub.s32 @!p0 $0x0, s1;
	[sflag:s0] =	ssyncset.done @!p0 $0x0  }
0x49: {  	[sflag:s0] =	ssyncadd.s32 @!p0 s1  }
0x4a: {  	[bflag:$0x3] =	sbarrier.arrive $0xFFFF  }
0x4b: {  	_ =	shalt  }

</sc_bundles>
